<compile_context>
chip_gen: v7x
topology: tpu7x:2x2x1
jax: 0.10.2.dev20260603
libtpu: 0.0.44.dev20260713+nightly
codegen_flags: <defaults>
</compile_context>

<pallas_src>
import jax
import jax.numpy as jnp
from jax import lax
from jax.experimental import pallas as pl
from jax.experimental.pallas import tpu as pltpu
from jax.experimental.pallas import tpu_sc as plsc

_LANES = 16
_DIM = 32
_GR = 128
_BATCH = 16384
_NUM_WORKERS = 32
_BPW = _BATCH // _NUM_WORKERS
_CHUNK = 4
_NPAIR = _BPW // (2 * _CHUNK)


def _sc_body(uidx_hbm, iidx_hbm, utab_hbm, itab_hbm, out_hbm,
             uidx_v, iidx_v, ubuf, vbuf, tmp_v, out_v,
             usem0, isem0, usem1, isem1):
    wid = lax.axis_index("s") * 2 + lax.axis_index("c")
    base = wid * _BPW

    pltpu.sync_copy(uidx_hbm.at[pl.ds(base, _BPW)],
                    uidx_v.at[pl.ds(0, _BPW)])
    pltpu.sync_copy(iidx_hbm.at[pl.ds(base, _BPW)],
                    iidx_v.at[pl.ds(0, _BPW)])

    lane = lax.iota(jnp.int32, _LANES)
    quarter = lane >> 2
    lowq = lane < 2 * _CHUNK
    slotv = jnp.where(lowq, lane & (_CHUNK - 1), (15 - lane) & (_CHUNK - 1))
    kbase = quarter << 3
    outmask = lane < _CHUNK
    outoff = lane & (_CHUNK - 1)

    def issue(gu, gi, lo, par, usem, isem):
        for t in range(_CHUNK):
            gb = pl.multiple_of(gu[lo + t], _GR)
            pltpu.async_copy(utab_hbm.at[:, pl.ds(gb, _GR)],
                             ubuf.at[par, t], usem)
        for t in range(_CHUNK):
            gb = pl.multiple_of(gi[lo + t], _GR)
            pltpu.async_copy(itab_hbm.at[:, pl.ds(gb, _GR)],
                             vbuf.at[par, t], isem)

    def drain(par, usem, isem):
        for t in range(_CHUNK):
            pltpu.make_async_copy(utab_hbm.at[:, pl.ds(0, _GR)],
                                  ubuf.at[par, t], usem).wait()
            pltpu.make_async_copy(itab_hbm.at[:, pl.ds(0, _GR)],
                                  vbuf.at[par, t], isem).wait()

    def dots4(i0, par):
        iref = jnp.full((_LANES,), i0, jnp.int32) + slotv
        ju = plsc.load_gather(uidx_v, [iref]) & (_GR - 1)
        jv = plsc.load_gather(iidx_v, [iref]) & (_GR - 1)
        parv = jnp.full((_LANES,), par, jnp.int32)
        acc = jnp.zeros((_LANES,), jnp.float32)
        for kk in range(_DIM // 4):
            kvec = kbase + kk
            uu = plsc.load_gather(ubuf, [parv, slotv, kvec, ju])
            vv = plsc.load_gather(vbuf, [parv, slotv, kvec, jv])
            acc = acc + uu * vv
        s = acc + lax.rev(acc, (0,))
        tmp_v[pl.ds(0, _LANES)] = s
        tot = s + plsc.load_gather(tmp_v, [lane ^ 4])
        plsc.store_scatter(out_v, [jnp.full((_LANES,), i0, jnp.int32)
                                   + outoff], tot, mask=outmask)

    uvec0 = uidx_v[pl.ds(0, _LANES)]
    ivec0 = iidx_v[pl.ds(0, _LANES)]
    issue((uvec0 >> 7) << 7, (ivec0 >> 7) << 7, 0, 0, usem0, isem0)

    def pair(j, _):
        i0 = j * 2 * _CHUNK
        uvec = uidx_v[pl.ds(i0, _LANES)]
        ivec = iidx_v[pl.ds(i0, _LANES)]
        gu = (uvec >> 7) << 7
        gi = (ivec >> 7) << 7

        issue(gu, gi, _CHUNK, 1, usem1, isem1)
        drain(0, usem0, isem0)
        dots4(i0, 0)

        @pl.when(j + 1 < _NPAIR)
        def _():
            issue(gu, gi, 2 * _CHUNK, 0, usem0, isem0)

        drain(1, usem1, isem1)
        dots4(i0 + _CHUNK, 1)
        return 0

    lax.fori_loop(0, _NPAIR, pair, 0)

    for i in range(_BPW // _LANES):
        x = out_v[pl.ds(i * _LANES, _LANES)]
        out_v[pl.ds(i * _LANES, _LANES)] = 1.0 / (1.0 + jnp.exp(-x))

    pltpu.sync_copy(out_v, out_hbm.at[pl.ds(base, _BPW)])


@jax.jit
def _mf_dot(user_idx, item_idx, user_table_t, item_table_t):
    mesh = plsc.VectorSubcoreMesh(core_axis_name="c", subcore_axis_name="s")
    return pl.kernel(
        _sc_body,
        out_type=jax.ShapeDtypeStruct((_BATCH,), jnp.float32),
        mesh=mesh,
        compiler_params=pltpu.CompilerParams(
            needs_layout_passes=False, use_tc_tiling_on_sc=True),
        scratch_types=[
            pltpu.VMEM((_BPW + _LANES,), jnp.int32),
            pltpu.VMEM((_BPW + _LANES,), jnp.int32),
            pltpu.VMEM((2, _CHUNK, _DIM, _GR), jnp.float32),
            pltpu.VMEM((2, _CHUNK, _DIM, _GR), jnp.float32),
            pltpu.VMEM((_LANES,), jnp.float32),
            pltpu.VMEM((_BPW,), jnp.float32),
            pltpu.SemaphoreType.DMA,
            pltpu.SemaphoreType.DMA,
            pltpu.SemaphoreType.DMA,
            pltpu.SemaphoreType.DMA,
        ],
    )(user_idx, item_idx, user_table_t, item_table_t)


def kernel(inputs, user_table, item_table):
    user_idx = jnp.ravel(inputs[:, 0])
    item_idx = jnp.ravel(inputs[:, 1])
    x = _mf_dot(user_idx, item_idx, user_table.T, item_table.T)
    return x.reshape(_BATCH, 1)

# --- scband reference (transcript-rebuilt; emitter-appended) ---
"""Pipeline reference for scband-matrix-factorization-67138928771611 (READ-ONLY COPY).

The authoritative reference and input builder live on the scoring server;
editing this copy changes nothing except your own understanding.
"""

import jax, jax.numpy as jnp
import numpy as np

NUM_USERS = 1000000
NUM_ITEMS = 1000000
LATENT_DIM = 32
BATCH = 16384

def setup_inputs(seed: int = 0) -> dict:
    key = jax.random.key(seed)
    k1, k2, k3 = jax.random.split(key, 3)
    inputs = jax.random.randint(k1, (BATCH, 2), 0, NUM_USERS, dtype=jnp.int64) if jax.config.jax_enable_x64 else jax.random.randint(k1, (BATCH, 2), 0, NUM_USERS, dtype=jnp.int32)
    user_table = jax.random.normal(k2, (NUM_USERS, LATENT_DIM), dtype=jnp.float32)
    item_table = jax.random.normal(k3, (NUM_ITEMS, LATENT_DIM), dtype=jnp.float32)
    return {"inputs": inputs, "user_table": user_table, "item_table": item_table}

def reference(inputs, user_table, item_table):
    # user_embedding lookup on column 0, item_embedding lookup on columns 1:
    user_embed = jnp.take(user_table, inputs[:, 0:1], axis=0)  # [B, 1, d]
    item_embed = jnp.take(item_table, inputs[:, 1:], axis=0)   # [B, n_items_cols, d]
    x = jnp.sum(user_embed * item_embed, axis=-1)              # [B, n_items_cols]
    if inputs.shape[1] == 3:
        x = x[:, 0:1] - x[:, 1:2]
    x = jax.nn.sigmoid(x)
    return x

if __name__ == "__main__":
    import jax
    _d = setup_inputs()
    print(jax.jit(kernel)(*tuple(_d.values())))

</pallas_src>

<mosaic_0001>
#map = affine_map<(d0, d1) -> (0)>
#map1 = affine_map<(d0, d1) -> (0, 0)>
module attributes {stable_mosaic.version = 14 : i64} {
  func.func @_sc_body(%arg0: i32, %arg1: i32, %arg2: memref<16384xi32, #tpu.memory_space<hbm>>, %arg3: memref<16384xi32, #tpu.memory_space<hbm>>, %arg4: memref<32x1000000xf32, #tpu.memory_space<hbm>>, %arg5: memref<32x1000000xf32, #tpu.memory_space<hbm>>, %arg6: memref<16384xf32, #tpu.memory_space<hbm>>, %arg7: memref<528xi32, #tpu.memory_space<vmem>>, %arg8: memref<528xi32, #tpu.memory_space<vmem>>, %arg9: memref<2x4x32x128xf32, #tpu.memory_space<vmem>>, %arg10: memref<2x4x32x128xf32, #tpu.memory_space<vmem>>, %arg11: memref<16xf32, #tpu.memory_space<vmem>>, %arg12: memref<512xf32, #tpu.memory_space<vmem>>, %arg13: memref<!tpu.dma_semaphore, #tpu.memory_space<semaphore_mem>>, %arg14: memref<!tpu.dma_semaphore, #tpu.memory_space<semaphore_mem>>, %arg15: memref<!tpu.dma_semaphore, #tpu.memory_space<semaphore_mem>>, %arg16: memref<!tpu.dma_semaphore, #tpu.memory_space<semaphore_mem>>) attributes {dimension_semantics = [#tpu.dimension_semantics<core_parallel>, #tpu.dimension_semantics<subcore_parallel>], iteration_bounds = array<i64: 2, 16>, scalar_prefetch = 0 : i64, scratch_operands = 10 : i64, tpu.core_type = #tpu.core_type<sc_vector_subcore>, window_params = [{transform_indices = #map}, {transform_indices = #map}, {transform_indices = #map1}, {transform_indices = #map1}, {transform_indices = #map}]} {
    %mul3A = arith.constant 2 : i32
    %mul3A_0 = arith.muli %arg1, %mul3A : i32
    %add3A = arith.addi %mul3A_0, %arg0 : i32
    %mul3A_1 = arith.constant 512 : i32
    %mul3A_2 = arith.muli %add3A, %mul3A_1 : i32
    "tpu.region"() ({
      %run_scoped3A = tpu.sem_alloc : memref<!tpu.dma_semaphore, #tpu.memory_space<semaphore_mem>>
      %dma_start3A_619 = arith.constant 0 : i32
      %dma_start3A_620 = tpu.memref_slice %arg7[%dma_start3A_619] : memref<528xi32, #tpu.memory_space<vmem>> -> memref<512xi32, #tpu.memory_space<vmem>>
      %dma_start3A_621 = tpu.memref_slice %arg2[%mul3A_2] : memref<16384xi32, #tpu.memory_space<hbm>> -> memref<512xi32, #tpu.memory_space<hbm>>
      %dma_start3A_622 = arith.constant 0 : i32
      %dma_start3A_623 = tpu.memref_slice %arg7[%dma_start3A_622] : memref<528xi32, #tpu.memory_space<vmem>> -> memref<512xi32, #tpu.memory_space<vmem>>
      %dma_start3A_624 = tpu.memref_slice %arg2[%mul3A_2] : memref<16384xi32, #tpu.memory_space<hbm>> -> memref<512xi32, #tpu.memory_space<hbm>>
      tpu.enqueue_dma source(%dma_start3A_624 : memref<512xi32, #tpu.memory_space<hbm>>) target(%dma_start3A_623 : memref<512xi32, #tpu.memory_space<vmem>>) target_semaphore(%run_scoped3A : memref<!tpu.dma_semaphore, #tpu.memory_space<semaphore_mem>>)
      %dma_wait3A = arith.constant 0 : i32
      %dma_wait3A_625 = tpu.memref_slice %arg7[%dma_wait3A] : memref<528xi32, #tpu.memory_space<vmem>> -> memref<512xi32, #tpu.memory_space<vmem>>
      %dma_wait3A_626 = tpu.memref_slice %arg2[%mul3A_2] : memref<16384xi32, #tpu.memory_space<hbm>> -> memref<512xi32, #tpu.memory_space<hbm>>
      %dma_wait3A_627 = arith.constant 0 : i32
      %dma_wait3A_628 = tpu.memref_slice %arg7[%dma_wait3A_627] : memref<528xi32, #tpu.memory_space<vmem>> -> memref<512xi32, #tpu.memory_space<vmem>>
      %dma_wait3A_629 = tpu.memref_slice %arg2[%mul3A_2] : memref<16384xi32, #tpu.memory_space<hbm>> -> memref<512xi32, #tpu.memory_space<hbm>>
      tpu.wait_dma2 semaphore(%run_scoped3A : memref<!tpu.dma_semaphore, #tpu.memory_space<semaphore_mem>>) src(%dma_wait3A_629 : memref<512xi32, #tpu.memory_space<hbm>>) dst(%dma_wait3A_628 : memref<512xi32, #tpu.memory_space<vmem>>)
      tpu.yield
    }) : () -> ()
    "tpu.region"() ({
      %run_scoped3A = tpu.sem_alloc : memref<!tpu.dma_semaphore, #tpu.memory_space<semaphore_mem>>
      %dma_start3A_619 = arith.constant 0 : i32
      %dma_start3A_620 = tpu.memref_slice %arg8[%dma_start3A_619] : memref<528xi32, #tpu.memory_space<vmem>> -> memref<512xi32, #tpu.memory_space<vmem>>
      %dma_start3A_621 = tpu.memref_slice %arg3[%mul3A_2] : memref<16384xi32, #tpu.memory_space<hbm>> -> memref<512xi32, #tpu.memory_space<hbm>>
      %dma_start3A_622 = arith.constant 0 : i32
      %dma_start3A_623 = tpu.memref_slice %arg8[%dma_start3A_622] : memref<528xi32, #tpu.memory_space<vmem>> -> memref<512xi32, #tpu.memory_space<vmem>>
      %dma_start3A_624 = tpu.memref_slice %arg3[%mul3A_2] : memref<16384xi32, #tpu.memory_space<hbm>> -> memref<512xi32, #tpu.memory_space<hbm>>
      tpu.enqueue_dma source(%dma_start3A_624 : memref<512xi32, #tpu.memory_space<hbm>>) target(%dma_start3A_623 : memref<512xi32, #tpu.memory_space<vmem>>) target_semaphore(%run_scoped3A : memref<!tpu.dma_semaphore, #tpu.memory_space<semaphore_mem>>)
      %dma_wait3A = arith.constant 0 : i32
      %dma_wait3A_625 = tpu.memref_slice %arg8[%dma_wait3A] : memref<528xi32, #tpu.memory_space<vmem>> -> memref<512xi32, #tpu.memory_space<vmem>>
      %dma_wait3A_626 = tpu.memref_slice %arg3[%mul3A_2] : memref<16384xi32, #tpu.memory_space<hbm>> -> memref<512xi32, #tpu.memory_space<hbm>>
      %dma_wait3A_627 = arith.constant 0 : i32
      %dma_wait3A_628 = tpu.memref_slice %arg8[%dma_wait3A_627] : memref<528xi32, #tpu.memory_space<vmem>> -> memref<512xi32, #tpu.memory_space<vmem>>
      %dma_wait3A_629 = tpu.memref_slice %arg3[%mul3A_2] : memref<16384xi32, #tpu.memory_space<hbm>> -> memref<512xi32, #tpu.memory_space<hbm>>
      tpu.wait_dma2 semaphore(%run_scoped3A : memref<!tpu.dma_semaphore, #tpu.memory_space<semaphore_mem>>) src(%dma_wait3A_629 : memref<512xi32, #tpu.memory_space<hbm>>) dst(%dma_wait3A_628 : memref<512xi32, #tpu.memory_space<vmem>>)
      tpu.yield
    }) : () -> ()
    %iota3A = tpu.iota {dimensions = array<i32: 0>} : vector<16xi32>
    %shift_right_arithmetic3A = arith.constant 2 : i32
    %shift_right_arithmetic3A_3 = vector.broadcast %shift_right_arithmetic3A : i32 to vector<16xi32>
    %shift_right_arithmetic3A_4 = arith.shrsi %iota3A, %shift_right_arithmetic3A_3 : vector<16xi32>
    %lt3A = arith.constant 8 : i32
    %lt3A_5 = vector.broadcast %lt3A : i32 to vector<16xi32>
    %lt3A_6 = arith.cmpi slt, %iota3A, %lt3A_5 : vector<16xi32>
    %and3A = arith.constant 3 : i32
    %and3A_7 = vector.broadcast %and3A : i32 to vector<16xi32>
    %and3A_8 = arith.andi %iota3A, %and3A_7 : vector<16xi32>
    %sub3A = arith.constant 15 : i32
    %sub3A_9 = vector.broadcast %sub3A : i32 to vector<16xi32>
    %sub3A_10 = arith.subi %sub3A_9, %iota3A : vector<16xi32>
    %and3A_11 = arith.constant 3 : i32
    %and3A_12 = vector.broadcast %and3A_11 : i32 to vector<16xi32>
    %and3A_13 = arith.andi %sub3A_10, %and3A_12 : vector<16xi32>
    %select_n3A = arith.select %lt3A_6, %and3A_8, %and3A_13 : vector<16xi1>, vector<16xi32>
    %shift_left3A = arith.constant 3 : i32
    %shift_left3A_14 = vector.broadcast %shift_left3A : i32 to vector<16xi32>
    %shift_left3A_15 = arith.shli %shift_right_arithmetic3A_4, %shift_left3A_14 : vector<16xi32>
    %lt3A_16 = arith.constant 4 : i32
    %lt3A_17 = vector.broadcast %lt3A_16 : i32 to vector<16xi32>
    %lt3A_18 = arith.cmpi slt, %iota3A, %lt3A_17 : vector<16xi32>
    %and3A_19 = arith.constant 3 : i32
    %and3A_20 = vector.broadcast %and3A_19 : i32 to vector<16xi32>
    %and3A_21 = arith.andi %iota3A, %and3A_20 : vector<16xi32>
    %get3A = arith.constant 0 : index
    %get3A_22 = tpu.vector_load %arg7[%get3A] {strides = array<i32>} : memref<528xi32, #tpu.memory_space<vmem>>, vector<16xi32>,
    %get3A_23 = arith.constant 0 : index
    %get3A_24 = tpu.vector_load %arg8[%get3A_23] {strides = array<i32>} : memref<528xi32, #tpu.memory_space<vmem>>, vector<16xi32>,
    %shift_right_arithmetic3A_25 = arith.constant 7 : i32
    %shift_right_arithmetic3A_26 = vector.broadcast %shift_right_arithmetic3A_25 : i32 to vector<16xi32>
    %shift_right_arithmetic3A_27 = arith.shrsi %get3A_22, %shift_right_arithmetic3A_26 : vector<16xi32>
    %shift_left3A_28 = arith.constant 7 : i32
    %shift_left3A_29 = vector.broadcast %shift_left3A_28 : i32 to vector<16xi32>
    %shift_left3A_30 = arith.shli %shift_right_arithmetic3A_27, %shift_left3A_29 : vector<16xi32>
    %shift_right_arithmetic3A_31 = arith.constant 7 : i32
    %shift_right_arithmetic3A_32 = vector.broadcast %shift_right_arithmetic3A_31 : i32 to vector<16xi32>
    %shift_right_arithmetic3A_33 = arith.shrsi %get3A_24, %shift_right_arithmetic3A_32 : vector<16xi32>
    %shift_left3A_34 = arith.constant 7 : i32
    %shift_left3A_35 = vector.broadcast %shift_left3A_34 : i32 to vector<16xi32>
    %shift_left3A_36 = arith.shli %shift_right_arithmetic3A_33, %shift_left3A_35 : vector<16xi32>
    %slice3A = vector.extract_strided_slice %shift_left3A_30 {offsets = [0], sizes = [1], strides = [1]} : vector<16xi32> to vector<1xi32>
    %squeeze3A = vector.extract %slice3A[0] : i32 from vector<1xi32>
    %multiple_of3A = tpu.assume_multiple %squeeze3A, 128 : i32
    %dma_start3A = arith.constant 0 : i32
    %dma_start3A_37 = arith.constant 0 : i32
    %dma_start3A_38 = arith.constant 0 : i32
    %dma_start3A_39 = arith.constant 0 : i32
    %dma_start3A_40 = tpu.memref_slice %arg9[%dma_start3A, %dma_start3A_37, %dma_start3A_38, %dma_start3A_39] : memref<2x4x32x128xf32, #tpu.memory_space<vmem>> -> memref<1x1x32x128xf32, #tpu.memory_space<vmem>>
    %dma_start3A_41 = tpu.memref_squeeze %dma_start3A_40 : memref<1x1x32x128xf32, #tpu.memory_space<vmem>> -> memref<32x128xf32, #tpu.memory_space<vmem>>
    %dma_start3A_42 = arith.constant 0 : i32
    %dma_start3A_43 = tpu.memref_slice %arg4[%dma_start3A_42, %multiple_of3A] : memref<32x1000000xf32, #tpu.memory_space<hbm>> -> memref<32x128xf32, #tpu.memory_space<hbm>>
    %dma_start3A_44 = arith.constant 0 : i32
    %dma_start3A_45 = arith.constant 0 : i32
    %dma_start3A_46 = tpu.memref_slice %arg9[%dma_start3A, %dma_start3A_37, %dma_start3A_44, %dma_start3A_45] : memref<2x4x32x128xf32, #tpu.memory_space<vmem>> -> memref<1x1x32x128xf32, #tpu.memory_space<vmem>>
    %dma_start3A_47 = tpu.memref_squeeze %dma_start3A_46 : memref<1x1x32x128xf32, #tpu.memory_space<vmem>> -> memref<32x128xf32, #tpu.memory_space<vmem>>
    %dma_start3A_48 = arith.constant 0 : i32
    %dma_start3A_49 = tpu.memref_slice %arg4[%dma_start3A_48, %multiple_of3A] : memref<32x1000000xf32, #tpu.memory_space<hbm>> -> memref<32x128xf32, #tpu.memory_space<hbm>>
    tpu.enqueue_dma source(%dma_start3A_49 : memref<32x128xf32, #tpu.memory_space<hbm>>) target(%dma_start3A_47 : memref<32x128xf32, #tpu.memory_space<vmem>>) target_semaphore(%arg13 : memref<!tpu.dma_semaphore, #tpu.memory_space<semaphore_mem>>)
    %slice3A_50 = vector.extract_strided_slice %shift_left3A_30 {offsets = [1], sizes = [1], strides = [1]} : vector<16xi32> to vector<1xi32>
    %squeeze3A_51 = vector.extract %slice3A_50[0] : i32 from vector<1xi32>
    %multiple_of3A_52 = tpu.assume_multiple %squeeze3A_51, 128 : i32
    %dma_start3A_53 = arith.constant 0 : i32
    %dma_start3A_54 = arith.constant 1 : i32
    %dma_start3A_55 = arith.constant 0 : i32
    %dma_start3A_56 = arith.constant 0 : i32
    %dma_start3A_57 = tpu.memref_slice %arg9[%dma_start3A_53, %dma_start3A_54, %dma_start3A_55, %dma_start3A_56] : memref<2x4x32x128xf32, #tpu.memory_space<vmem>> -> memref<1x1x32x128xf32, #tpu.memory_space<vmem>>
    %dma_start3A_58 = tpu.memref_squeeze %dma_start3A_57 : memref<1x1x32x128xf32, #tpu.memory_space<vmem>> -> memref<32x128xf32, #tpu.memory_space<vmem>>
    %dma_start3A_59 = arith.constant 0 : i32
    %dma_start3A_60 = tpu.memref_slice %arg4[%dma_start3A_59, %multiple_of3A_52] : memref<32x1000000xf32, #tpu.memory_space<hbm>> -> memref<32x128xf32, #tpu.memory_space<hbm>>
    %dma_start3A_61 = arith.constant 0 : i32
    %dma_start3A_62 = arith.constant 0 : i32
    %dma_start3A_63 = tpu.memref_slice %arg9[%dma_start3A_53, %dma_start3A_54, %dma_start3A_61, %dma_start3A_62] : memref<2x4x32x128xf32, #tpu.memory_space<vmem>> -> memref<1x1x32x128xf32, #tpu.memory_space<vmem>>
    %dma_start3A_64 = tpu.memref_squeeze %dma_start3A_63 : memref<1x1x32x128xf32, #tpu.memory_space<vmem>> -> memref<32x128xf32, #tpu.memory_space<vmem>>
    %dma_start3A_65 = arith.constant 0 : i32
    %dma_start3A_66 = tpu.memref_slice %arg4[%dma_start3A_65, %multiple_of3A_52] : memref<32x1000000xf32, #tpu.memory_space<hbm>> -> memref<32x128xf32, #tpu.memory_space<hbm>>
    tpu.enqueue_dma source(%dma_start3A_66 : memref<32x128xf32, #tpu.memory_space<hbm>>) target(%dma_start3A_64 : memref<32x128xf32, #tpu.memory_space<vmem>>) target_semaphore(%arg13 : memref<!tpu.dma_semaphore, #tpu.memory_space<semaphore_mem>>)
    %slice3A_67 = vector.extract_strided_slice %shift_left3A_30 {offsets = [2], sizes = [1], strides = [1]} : vector<16xi32> to vector<1xi32>
    %squeeze3A_68 = vector.extract %slice3A_67[0] : i32 from vector<1xi32>
    %multiple_of3A_69 = tpu.assume_multiple %squeeze3A_68, 128 : i32
    %dma_start3A_70 = arith.constant 0 : i32
    %dma_start3A_71 = arith.constant 2 : i32
    %dma_start3A_72 = arith.constant 0 : i32
    %dma_start3A_73 = arith.constant 0 : i32
    %dma_start3A_74 = tpu.memref_slice %arg9[%dma_start3A_70, %dma_start3A_71, %dma_start3A_72, %dma_start3A_73] : memref<2x4x32x128xf32, #tpu.memory_space<vmem>> -> memref<1x1x32x128xf32, #tpu.memory_space<vmem>>
    %dma_start3A_75 = tpu.memref_squeeze %dma_start3A_74 : memref<1x1x32x128xf32, #tpu.memory_space<vmem>> -> memref<32x128xf32, #tpu.memory_space<vmem>>
    %dma_start3A_76 = arith.constant 0 : i32
    %dma_start3A_77 = tpu.memref_slice %arg4[%dma_start3A_76, %multiple_of3A_69] : memref<32x1000000xf32, #tpu.memory_space<hbm>> -> memref<32x128xf32, #tpu.memory_space<hbm>>
    %dma_start3A_78 = arith.constant 0 : i32
    %dma_start3A_79 = arith.constant 0 : i32
    %dma_start3A_80 = tpu.memref_slice %arg9[%dma_start3A_70, %dma_start3A_71, %dma_start3A_78, %dma_start3A_79] : memref<2x4x32x128xf32, #tpu.memory_space<vmem>> -> memref<1x1x32x128xf32, #tpu.memory_space<vmem>>
    %dma_start3A_81 = tpu.memref_squeeze %dma_start3A_80 : memref<1x1x32x128xf32, #tpu.memory_space<vmem>> -> memref<32x128xf32, #tpu.memory_space<vmem>>
    %dma_start3A_82 = arith.constant 0 : i32
    %dma_start3A_83 = tpu.memref_slice %arg4[%dma_start3A_82, %multiple_of3A_69] : memref<32x1000000xf32, #tpu.memory_space<hbm>> -> memref<32x128xf32, #tpu.memory_space<hbm>>
    tpu.enqueue_dma source(%dma_start3A_83 : memref<32x128xf32, #tpu.memory_space<hbm>>) target(%dma_start3A_81 : memref<32x128xf32, #tpu.memory_space<vmem>>) target_semaphore(%arg13 : memref<!tpu.dma_semaphore, #tpu.memory_space<semaphore_mem>>)
    %slice3A_84 = vector.extract_strided_slice %shift_left3A_30 {offsets = [3], sizes = [1], strides = [1]} : vector<16xi32> to vector<1xi32>
    %squeeze3A_85 = vector.extract %slice3A_84[0] : i32 from vector<1xi32>
    %multiple_of3A_86 = tpu.assume_multiple %squeeze3A_85, 128 : i32
    %dma_start3A_87 = arith.constant 0 : i32
    %dma_start3A_88 = arith.constant 3 : i32
    %dma_start3A_89 = arith.constant 0 : i32
    %dma_start3A_90 = arith.constant 0 : i32
    %dma_start3A_91 = tpu.memref_slice %arg9[%dma_start3A_87, %dma_start3A_88, %dma_start3A_89, %dma_start3A_90] : memref<2x4x32x128xf32, #tpu.memory_space<vmem>> -> memref<1x1x32x128xf32, #tpu.memory_space<vmem>>
    %dma_start3A_92 = tpu.memref_squeeze %dma_start3A_91 : memref<1x1x32x128xf32, #tpu.memory_space<vmem>> -> memref<32x128xf32, #tpu.memory_space<vmem>>
    %dma_start3A_93 = arith.constant 0 : i32
    %dma_start3A_94 = tpu.memref_slice %arg4[%dma_start3A_93, %multiple_of3A_86] : memref<32x1000000xf32, #tpu.memory_space<hbm>> -> memref<32x128xf32, #tpu.memory_space<hbm>>
    %dma_start3A_95 = arith.constant 0 : i32
    %dma_start3A_96 = arith.constant 0 : i32
    %dma_start3A_97 = tpu.memref_slice %arg9[%dma_start3A_87, %dma_start3A_88, %dma_start3A_95, %dma_start3A_96] : memref<2x4x32x128xf32, #tpu.memory_space<vmem>> -> memref<1x1x32x128xf32, #tpu.memory_space<vmem>>
    %dma_start3A_98 = tpu.memref_squeeze %dma_start3A_97 : memref<1x1x32x128xf32, #tpu.memory_space<vmem>> -> memref<32x128xf32, #tpu.memory_space<vmem>>
    %dma_start3A_99 = arith.constant 0 : i32
    %dma_start3A_100 = tpu.memref_slice %arg4[%dma_start3A_99, %multiple_of3A_86] : memref<32x1000000xf32, #tpu.memory_space<hbm>> -> memref<32x128xf32, #tpu.memory_space<hbm>>
    tpu.enqueue_dma source(%dma_start3A_100 : memref<32x128xf32, #tpu.memory_space<hbm>>) target(%dma_start3A_98 : memref<32x128xf32, #tpu.memory_space<vmem>>) target_semaphore(%arg13 : memref<!tpu.dma_semaphore, #tpu.memory_space<semaphore_mem>>)
    %slice3A_101 = vector.extract_strided_slice %shift_left3A_36 {offsets = [0], sizes = [1], strides = [1]} : vector<16xi32> to vector<1xi32>
    %squeeze3A_102 = vector.extract %slice3A_101[0] : i32 from vector<1xi32>
    %multiple_of3A_103 = tpu.assume_multiple %squeeze3A_102, 128 : i32
    %dma_start3A_104 = arith.constant 0 : i32
    %dma_start3A_105 = arith.constant 0 : i32
    %dma_start3A_106 = arith.constant 0 : i32
    %dma_start3A_107 = arith.constant 0 : i32
    %dma_start3A_108 = tpu.memref_slice %arg10[%dma_start3A_104, %dma_start3A_105, %dma_start3A_106, %dma_start3A_107] : memref<2x4x32x128xf32, #tpu.memory_space<vmem>> -> memref<1x1x32x128xf32, #tpu.memory_space<vmem>>
    %dma_start3A_109 = tpu.memref_squeeze %dma_start3A_108 : memref<1x1x32x128xf32, #tpu.memory_space<vmem>> -> memref<32x128xf32, #tpu.memory_space<vmem>>
    %dma_start3A_110 = arith.constant 0 : i32
    %dma_start3A_111 = tpu.memref_slice %arg5[%dma_start3A_110, %multiple_of3A_103] : memref<32x1000000xf32, #tpu.memory_space<hbm>> -> memref<32x128xf32, #tpu.memory_space<hbm>>
    %dma_start3A_112 = arith.constant 0 : i32
    %dma_start3A_113 = arith.constant 0 : i32
    %dma_start3A_114 = tpu.memref_slice %arg10[%dma_start3A_104, %dma_start3A_105, %dma_start3A_112, %dma_start3A_113] : memref<2x4x32x128xf32, #tpu.memory_space<vmem>> -> memref<1x1x32x128xf32, #tpu.memory_space<vmem>>
    %dma_start3A_115 = tpu.memref_squeeze %dma_start3A_114 : memref<1x1x32x128xf32, #tpu.memory_space<vmem>> -> memref<32x128xf32, #tpu.memory_space<vmem>>
    %dma_start3A_116 = arith.constant 0 : i32
    %dma_start3A_117 = tpu.memref_slice %arg5[%dma_start3A_116, %multiple_of3A_103] : memref<32x1000000xf32, #tpu.memory_space<hbm>> -> memref<32x128xf32, #tpu.memory_space<hbm>>
    tpu.enqueue_dma source(%dma_start3A_117 : memref<32x128xf32, #tpu.memory_space<hbm>>) target(%dma_start3A_115 : memref<32x128xf32, #tpu.memory_space<vmem>>) target_semaphore(%arg14 : memref<!tpu.dma_semaphore, #tpu.memory_space<semaphore_mem>>)
    %slice3A_118 = vector.extract_strided_slice %shift_left3A_36 {offsets = [1], sizes = [1], strides = [1]} : vector<16xi32> to vector<1xi32>
    %squeeze3A_119 = vector.extract %slice3A_118[0] : i32 from vector<1xi32>
    %multiple_of3A_120 = tpu.assume_multiple %squeeze3A_119, 128 : i32
    %dma_start3A_121 = arith.constant 0 : i32
    %dma_start3A_122 = arith.constant 1 : i32
    %dma_start3A_123 = arith.constant 0 : i32
    %dma_start3A_124 = arith.constant 0 : i32
    %dma_start3A_125 = tpu.memref_slice %arg10[%dma_start3A_121, %dma_start3A_122, %dma_start3A_123, %dma_start3A_124] : memref<2x4x32x128xf32, #tpu.memory_space<vmem>> -> memref<1x1x32x128xf32, #tpu.memory_space<vmem>>
    %dma_start3A_126 = tpu.memref_squeeze %dma_start3A_125 : memref<1x1x32x128xf32, #tpu.memory_space<vmem>> -> memref<32x128xf32, #tpu.memory_space<vmem>>
    %dma_start3A_127 = arith.constant 0 : i32
    %dma_start3A_128 = tpu.memref_slice %arg5[%dma_start3A_127, %multiple_of3A_120] : memref<32x1000000xf32, #tpu.memory_space<hbm>> -> memref<32x128xf32, #tpu.memory_space<hbm>>
    %dma_start3A_129 = arith.constant 0 : i32
    %dma_start3A_130 = arith.constant 0 : i32
    %dma_start3A_131 = tpu.memref_slice %arg10[%dma_start3A_121, %dma_start3A_122, %dma_start3A_129, %dma_start3A_130] : memref<2x4x32x128xf32, #tpu.memory_space<vmem>> -> memref<1x1x32x128xf32, #tpu.memory_space<vmem>>
    %dma_start3A_132 = tpu.memref_squeeze %dma_start3A_131 : memref<1x1x32x128xf32, #tpu.memory_space<vmem>> -> memref<32x128xf32, #tpu.memory_space<vmem>>
    %dma_start3A_133 = arith.constant 0 : i32
    %dma_start3A_134 = tpu.memref_slice %arg5[%dma_start3A_133, %multiple_of3A_120] : memref<32x1000000xf32, #tpu.memory_space<hbm>> -> memref<32x128xf32, #tpu.memory_space<hbm>>
    tpu.enqueue_dma source(%dma_start3A_134 : memref<32x128xf32, #tpu.memory_space<hbm>>) target(%dma_start3A_132 : memref<32x128xf32, #tpu.memory_space<vmem>>) target_semaphore(%arg14 : memref<!tpu.dma_semaphore, #tpu.memory_space<semaphore_mem>>)
    %slice3A_135 = vector.extract_strided_slice %shift_left3A_36 {offsets = [2], sizes = [1], strides = [1]} : vector<16xi32> to vector<1xi32>
    %squeeze3A_136 = vector.extract %slice3A_135[0] : i32 from vector<1xi32>
    %multiple_of3A_137 = tpu.assume_multiple %squeeze3A_136, 128 : i32
    %dma_start3A_138 = arith.constant 0 : i32
    %dma_start3A_139 = arith.constant 2 : i32
    %dma_start3A_140 = arith.constant 0 : i32
    %dma_start3A_141 = arith.constant 0 : i32
    %dma_start3A_142 = tpu.memref_slice %arg10[%dma_start3A_138, %dma_start3A_139, %dma_start3A_140, %dma_start3A_141] : memref<2x4x32x128xf32, #tpu.memory_space<vmem>> -> memref<1x1x32x128xf32, #tpu.memory_space<vmem>>
    %dma_start3A_143 = tpu.memref_squeeze %dma_start3A_142 : memref<1x1x32x128xf32, #tpu.memory_space<vmem>> -> memref<32x128xf32, #tpu.memory_space<vmem>>
    %dma_start3A_144 = arith.constant 0 : i32
    %dma_start3A_145 = tpu.memref_slice %arg5[%dma_start3A_144, %multiple_of3A_137] : memref<32x1000000xf32, #tpu.memory_space<hbm>> -> memref<32x128xf32, #tpu.memory_space<hbm>>
    %dma_start3A_146 = arith.constant 0 : i32
    %dma_start3A_147 = arith.constant 0 : i32
    %dma_start3A_148 = tpu.memref_slice %arg10[%dma_start3A_138, %dma_start3A_139, %dma_start3A_146, %dma_start3A_147] : memref<2x4x32x128xf32, #tpu.memory_space<vmem>> -> memref<1x1x32x128xf32, #tpu.memory_space<vmem>>
    %dma_start3A_149 = tpu.memref_squeeze %dma_start3A_148 : memref<1x1x32x128xf32, #tpu.memory_space<vmem>> -> memref<32x128xf32, #tpu.memory_space<vmem>>
    %dma_start3A_150 = arith.constant 0 : i32
    %dma_start3A_151 = tpu.memref_slice %arg5[%dma_start3A_150, %multiple_of3A_137] : memref<32x1000000xf32, #tpu.memory_space<hbm>> -> memref<32x128xf32, #tpu.memory_space<hbm>>
    tpu.enqueue_dma source(%dma_start3A_151 : memref<32x128xf32, #tpu.memory_space<hbm>>) target(%dma_start3A_149 : memref<32x128xf32, #tpu.memory_space<vmem>>) target_semaphore(%arg14 : memref<!tpu.dma_semaphore, #tpu.memory_space<semaphore_mem>>)
    %slice3A_152 = vector.extract_strided_slice %shift_left3A_36 {offsets = [3], sizes = [1], strides = [1]} : vector<16xi32> to vector<1xi32>
    %squeeze3A_153 = vector.extract %slice3A_152[0] : i32 from vector<1xi32>
    %multiple_of3A_154 = tpu.assume_multiple %squeeze3A_153, 128 : i32
    %dma_start3A_155 = arith.constant 0 : i32
    %dma_start3A_156 = arith.constant 3 : i32
    %dma_start3A_157 = arith.constant 0 : i32
    %dma_start3A_158 = arith.constant 0 : i32
    %dma_start3A_159 = tpu.memref_slice %arg10[%dma_start3A_155, %dma_start3A_156, %dma_start3A_157, %dma_start3A_158] : memref<2x4x32x128xf32, #tpu.memory_space<vmem>> -> memref<1x1x32x128xf32, #tpu.memory_space<vmem>>
    %dma_start3A_160 = tpu.memref_squeeze %dma_start3A_159 : memref<1x1x32x128xf32, #tpu.memory_space<vmem>> -> memref<32x128xf32, #tpu.memory_space<vmem>>
    %dma_start3A_161 = arith.constant 0 : i32
    %dma_start3A_162 = tpu.memref_slice %arg5[%dma_start3A_161, %multiple_of3A_154] : memref<32x1000000xf32, #tpu.memory_space<hbm>> -> memref<32x128xf32, #tpu.memory_space<hbm>>
    %dma_start3A_163 = arith.constant 0 : i32
    %dma_start3A_164 = arith.constant 0 : i32
    %dma_start3A_165 = tpu.memref_slice %arg10[%dma_start3A_155, %dma_start3A_156, %dma_start3A_163, %dma_start3A_164] : memref<2x4x32x128xf32, #tpu.memory_space<vmem>> -> memref<1x1x32x128xf32, #tpu.memory_space<vmem>>
    %dma_start3A_166 = tpu.memref_squeeze %dma_start3A_165 : memref<1x1x32x128xf32, #tpu.memory_space<vmem>> -> memref<32x128xf32, #tpu.memory_space<vmem>>
    %dma_start3A_167 = arith.constant 0 : i32
    %dma_start3A_168 = tpu.memref_slice %arg5[%dma_start3A_167, %multiple_of3A_154] : memref<32x1000000xf32, #tpu.memory_space<hbm>> -> memref<32x128xf32, #tpu.memory_space<hbm>>
    tpu.enqueue_dma source(%dma_start3A_168 : memref<32x128xf32, #tpu.memory_space<hbm>>) target(%dma_start3A_166 : memref<32x128xf32, #tpu.memory_space<vmem>>) target_semaphore(%arg14 : memref<!tpu.dma_semaphore, #tpu.memory_space<semaphore_mem>>)
    %scan3A = arith.constant 0 : i32
    %scan3A_169 = arith.constant 0 : i32
    %scan3A_170 = arith.constant 64 : i32
    %scan3A_171 = arith.addi %scan3A_169, %scan3A_170 : i32
    %scan3A_172 = arith.constant 1 : i32
    %scan3A_173 = scf.for %scan3A_619 = %scan3A_169 to %scan3A_171 step %scan3A_172 iter_args(%scan3A_620 = %scan3A) -> (i32)  : i32 {
      %mul3A_621 = arith.constant 2 : i32
      %mul3A_622 = arith.muli %scan3A_619, %mul3A_621 : i32
      %mul3A_623 = arith.constant 4 : i32
      %mul3A_624 = arith.muli %mul3A_622, %mul3A_623 : i32
      %get3A_625 = arith.index_cast %mul3A_624 : i32 to index
      %get3A_626 = tpu.vector_load %arg7[%get3A_625] {strides = array<i32>} : memref<528xi32, #tpu.memory_space<vmem>>, vector<16xi32>,
      %get3A_627 = arith.index_cast %mul3A_624 : i32 to index
      %get3A_628 = tpu.vector_load %arg8[%get3A_627] {strides = array<i32>} : memref<528xi32, #tpu.memory_space<vmem>>, vector<16xi32>,
      %shift_right_arithmetic3A_629 = arith.constant 7 : i32
      %shift_right_arithmetic3A_630 = vector.broadcast %shift_right_arithmetic3A_629 : i32 to vector<16xi32>
      %shift_right_arithmetic3A_631 = arith.shrsi %get3A_626, %shift_right_arithmetic3A_630 : vector<16xi32>
      %shift_left3A_632 = arith.constant 7 : i32
      %shift_left3A_633 = vector.broadcast %shift_left3A_632 : i32 to vector<16xi32>
      %shift_left3A_634 = arith.shli %shift_right_arithmetic3A_631, %shift_left3A_633 : vector<16xi32>
      %shift_right_arithmetic3A_635 = arith.constant 7 : i32
      %shift_right_arithmetic3A_636 = vector.broadcast %shift_right_arithmetic3A_635 : i32 to vector<16xi32>
      %shift_right_arithmetic3A_637 = arith.shrsi %get3A_628, %shift_right_arithmetic3A_636 : vector<16xi32>
      %shift_left3A_638 = arith.constant 7 : i32
      %shift_left3A_639 = vector.broadcast %shift_left3A_638 : i32 to vector<16xi32>
      %shift_left3A_640 = arith.shli %shift_right_arithmetic3A_637, %shift_left3A_639 : vector<16xi32>
      %slice3A_641 = vector.extract_strided_slice %shift_left3A_634 {offsets = [4], sizes = [1], strides = [1]} : vector<16xi32> to vector<1xi32>
      %squeeze3A_642 = vector.extract %slice3A_641[0] : i32 from vector<1xi32>
      %multiple_of3A_643 = tpu.assume_multiple %squeeze3A_642, 128 : i32
      %dma_start3A_644 = arith.constant 1 : i32
      %dma_start3A_645 = arith.constant 0 : i32
      %dma_start3A_646 = arith.constant 0 : i32
      %dma_start3A_647 = arith.constant 0 : i32
      %dma_start3A_648 = tpu.memref_slice %arg9[%dma_start3A_644, %dma_start3A_645, %dma_start3A_646, %dma_start3A_647] : memref<2x4x32x128xf32, #tpu.memory_space<vmem>> -> memref<1x1x32x128xf32, #tpu.memory_space<vmem>>
      %dma_start3A_649 = tpu.memref_squeeze %dma_start3A_648 : memref<1x1x32x128xf32, #tpu.memory_space<vmem>> -> memref<32x128xf32, #tpu.memory_space<vmem>>
      %dma_start3A_650 = arith.constant 0 : i32
      %dma_start3A_651 = tpu.memref_slice %arg4[%dma_start3A_650, %multiple_of3A_643] : memref<32x1000000xf32, #tpu.memory_space<hbm>> -> memref<32x128xf32, #tpu.memory_space<hbm>>
      %dma_start3A_652 = arith.constant 0 : i32
      %dma_start3A_653 = arith.constant 0 : i32
      %dma_start3A_654 = tpu.memref_slice %arg9[%dma_start3A_644, %dma_start3A_645, %dma_start3A_652, %dma_start3A_653] : memref<2x4x32x128xf32, #tpu.memory_space<vmem>> -> memref<1x1x32x128xf32, #tpu.memory_space<vmem>>
      %dma_start3A_655 = tpu.memref_squeeze %dma_start3A_654 : memref<1x1x32x128xf32, #tpu.memory_space<vmem>> -> memref<32x128xf32, #tpu.memory_space<vmem>>
      %dma_start3A_656 = arith.constant 0 : i32
      %dma_start3A_657 = tpu.memref_slice %arg4[%dma_start3A_656, %multiple_of3A_643] : memref<32x1000000xf32, #tpu.memory_space<hbm>> -> memref<32x128xf32, #tpu.memory_space<hbm>>
      tpu.enqueue_dma source(%dma_start3A_657 : memref<32x128xf32, #tpu.memory_space<hbm>>) target(%dma_start3A_655 : memref<32x128xf32, #tpu.memory_space<vmem>>) target_semaphore(%arg15 : memref<!tpu.dma_semaphore, #tpu.memory_space<semaphore_mem>>)
      %slice3A_658 = vector.extract_strided_slice %shift_left3A_634 {offsets = [5], sizes = [1], strides = [1]} : vector<16xi32> to vector<1xi32>
      %squeeze3A_659 = vector.extract %slice3A_658[0] : i32 from vector<1xi32>
      %multiple_of3A_660 = tpu.assume_multiple %squeeze3A_659, 128 : i32
      %dma_start3A_661 = arith.constant 1 : i32
      %dma_start3A_662 = arith.constant 1 : i32
      %dma_start3A_663 = arith.constant 0 : i32
      %dma_start3A_664 = arith.constant 0 : i32
      %dma_start3A_665 = tpu.memref_slice %arg9[%dma_start3A_661, %dma_start3A_662, %dma_start3A_663, %dma_start3A_664] : memref<2x4x32x128xf32, #tpu.memory_space<vmem>> -> memref<1x1x32x128xf32, #tpu.memory_space<vmem>>
      %dma_start3A_666 = tpu.memref_squeeze %dma_start3A_665 : memref<1x1x32x128xf32, #tpu.memory_space<vmem>> -> memref<32x128xf32, #tpu.memory_space<vmem>>
      %dma_start3A_667 = arith.constant 0 : i32
      %dma_start3A_668 = tpu.memref_slice %arg4[%dma_start3A_667, %multiple_of3A_660] : memref<32x1000000xf32, #tpu.memory_space<hbm>> -> memref<32x128xf32, #tpu.memory_space<hbm>>
      %dma_start3A_669 = arith.constant 0 : i32
      %dma_start3A_670 = arith.constant 0 : i32
      %dma_start3A_671 = tpu.memref_slice %arg9[%dma_start3A_661, %dma_start3A_662, %dma_start3A_669, %dma_start3A_670] : memref<2x4x32x128xf32, #tpu.memory_space<vmem>> -> memref<1x1x32x128xf32, #tpu.memory_space<vmem>>
      %dma_start3A_672 = tpu.memref_squeeze %dma_start3A_671 : memref<1x1x32x128xf32, #tpu.memory_space<vmem>> -> memref<32x128xf32, #tpu.memory_space<vmem>>
      %dma_start3A_673 = arith.constant 0 : i32
      %dma_start3A_674 = tpu.memref_slice %arg4[%dma_start3A_673, %multiple_of3A_660] : memref<32x1000000xf32, #tpu.memory_space<hbm>> -> memref<32x128xf32, #tpu.memory_space<hbm>>
      tpu.enqueue_dma source(%dma_start3A_674 : memref<32x128xf32, #tpu.memory_space<hbm>>) target(%dma_start3A_672 : memref<32x128xf32, #tpu.memory_space<vmem>>) target_semaphore(%arg15 : memref<!tpu.dma_semaphore, #tpu.memory_space<semaphore_mem>>)
      %slice3A_675 = vector.extract_strided_slice %shift_left3A_634 {offsets = [6], sizes = [1], strides = [1]} : vector<16xi32> to vector<1xi32>
      %squeeze3A_676 = vector.extract %slice3A_675[0] : i32 from vector<1xi32>
      %multiple_of3A_677 = tpu.assume_multiple %squeeze3A_676, 128 : i32
      %dma_start3A_678 = arith.constant 1 : i32
      %dma_start3A_679 = arith.constant 2 : i32
      %dma_start3A_680 = arith.constant 0 : i32
      %dma_start3A_681 = arith.constant 0 : i32
      %dma_start3A_682 = tpu.memref_slice %arg9[%dma_start3A_678, %dma_start3A_679, %dma_start3A_680, %dma_start3A_681] : memref<2x4x32x128xf32, #tpu.memory_space<vmem>> -> memref<1x1x32x128xf32, #tpu.memory_space<vmem>>
      %dma_start3A_683 = tpu.memref_squeeze %dma_start3A_682 : memref<1x1x32x128xf32, #tpu.memory_space<vmem>> -> memref<32x128xf32, #tpu.memory_space<vmem>>
      %dma_start3A_684 = arith.constant 0 : i32
      %dma_start3A_685 = tpu.memref_slice %arg4[%dma_start3A_684, %multiple_of3A_677] : memref<32x1000000xf32, #tpu.memory_space<hbm>> -> memref<32x128xf32, #tpu.memory_space<hbm>>
      %dma_start3A_686 = arith.constant 0 : i32
      %dma_start3A_687 = arith.constant 0 : i32
      %dma_start3A_688 = tpu.memref_slice %arg9[%dma_start3A_678, %dma_start3A_679, %dma_start3A_686, %dma_start3A_687] : memref<2x4x32x128xf32, #tpu.memory_space<vmem>> -> memref<1x1x32x128xf32, #tpu.memory_space<vmem>>
      %dma_start3A_689 = tpu.memref_squeeze %dma_start3A_688 : memref<1x1x32x128xf32, #tpu.memory_space<vmem>> -> memref<32x128xf32, #tpu.memory_space<vmem>>
      %dma_start3A_690 = arith.constant 0 : i32
      %dma_start3A_691 = tpu.memref_slice %arg4[%dma_start3A_690, %multiple_of3A_677] : memref<32x1000000xf32, #tpu.memory_space<hbm>> -> memref<32x128xf32, #tpu.memory_space<hbm>>
      tpu.enqueue_dma source(%dma_start3A_691 : memref<32x128xf32, #tpu.memory_space<hbm>>) target(%dma_start3A_689 : memref<32x128xf32, #tpu.memory_space<vmem>>) target_semaphore(%arg15 : memref<!tpu.dma_semaphore, #tpu.memory_space<semaphore_mem>>)
      %slice3A_692 = vector.extract_strided_slice %shift_left3A_634 {offsets = [7], sizes = [1], strides = [1]} : vector<16xi32> to vector<1xi32>
      %squeeze3A_693 = vector.extract %slice3A_692[0] : i32 from vector<1xi32>
      %multiple_of3A_694 = tpu.assume_multiple %squeeze3A_693, 128 : i32
      %dma_start3A_695 = arith.constant 1 : i32
      %dma_start3A_696 = arith.constant 3 : i32
      %dma_start3A_697 = arith.constant 0 : i32
      %dma_start3A_698 = arith.constant 0 : i32
      %dma_start3A_699 = tpu.memref_slice %arg9[%dma_start3A_695, %dma_start3A_696, %dma_start3A_697, %dma_start3A_698] : memref<2x4x32x128xf32, #tpu.memory_space<vmem>> -> memref<1x1x32x128xf32, #tpu.memory_space<vmem>>
      %dma_start3A_700 = tpu.memref_squeeze %dma_start3A_699 : memref<1x1x32x128xf32, #tpu.memory_space<vmem>> -> memref<32x128xf32, #tpu.memory_space<vmem>>
      %dma_start3A_701 = arith.constant 0 : i32
      %dma_start3A_702 = tpu.memref_slice %arg4[%dma_start3A_701, %multiple_of3A_694] : memref<32x1000000xf32, #tpu.memory_space<hbm>> -> memref<32x128xf32, #tpu.memory_space<hbm>>
      %dma_start3A_703 = arith.constant 0 : i32
      %dma_start3A_704 = arith.constant 0 : i32
      %dma_start3A_705 = tpu.memref_slice %arg9[%dma_start3A_695, %dma_start3A_696, %dma_start3A_703, %dma_start3A_704] : memref<2x4x32x128xf32, #tpu.memory_space<vmem>> -> memref<1x1x32x128xf32, #tpu.memory_space<vmem>>
      %dma_start3A_706 = tpu.memref_squeeze %dma_start3A_705 : memref<1x1x32x128xf32, #tpu.memory_space<vmem>> -> memref<32x128xf32, #tpu.memory_space<vmem>>
      %dma_start3A_707 = arith.constant 0 : i32
      %dma_start3A_708 = tpu.memref_slice %arg4[%dma_start3A_707, %multiple_of3A_694] : memref<32x1000000xf32, #tpu.memory_space<hbm>> -> memref<32x128xf32, #tpu.memory_space<hbm>>
      tpu.enqueue_dma source(%dma_start3A_708 : memref<32x128xf32, #tpu.memory_space<hbm>>) target(%dma_start3A_706 : memref<32x128xf32, #tpu.memory_space<vmem>>) target_semaphore(%arg15 : memref<!tpu.dma_semaphore, #tpu.memory_space<semaphore_mem>>)
      %slice3A_709 = vector.extract_strided_slice %shift_left3A_640 {offsets = [4], sizes = [1], strides = [1]} : vector<16xi32> to vector<1xi32>
      %squeeze3A_710 = vector.extract %slice3A_709[0] : i32 from vector<1xi32>
      %multiple_of3A_711 = tpu.assume_multiple %squeeze3A_710, 128 : i32
      %dma_start3A_712 = arith.constant 1 : i32
      %dma_start3A_713 = arith.constant 0 : i32
      %dma_start3A_714 = arith.constant 0 : i32
      %dma_start3A_715 = arith.constant 0 : i32
      %dma_start3A_716 = tpu.memref_slice %arg10[%dma_start3A_712, %dma_start3A_713, %dma_start3A_714, %dma_start3A_715] : memref<2x4x32x128xf32, #tpu.memory_space<vmem>> -> memref<1x1x32x128xf32, #tpu.memory_space<vmem>>
      %dma_start3A_717 = tpu.memref_squeeze %dma_start3A_716 : memref<1x1x32x128xf32, #tpu.memory_space<vmem>> -> memref<32x128xf32, #tpu.memory_space<vmem>>
      %dma_start3A_718 = arith.constant 0 : i32
      %dma_start3A_719 = tpu.memref_slice %arg5[%dma_start3A_718, %multiple_of3A_711] : memref<32x1000000xf32, #tpu.memory_space<hbm>> -> memref<32x128xf32, #tpu.memory_space<hbm>>
      %dma_start3A_720 = arith.constant 0 : i32
      %dma_start3A_721 = arith.constant 0 : i32
      %dma_start3A_722 = tpu.memref_slice %arg10[%dma_start3A_712, %dma_start3A_713, %dma_start3A_720, %dma_start3A_721] : memref<2x4x32x128xf32, #tpu.memory_space<vmem>> -> memref<1x1x32x128xf32, #tpu.memory_space<vmem>>
      %dma_start3A_723 = tpu.memref_squeeze %dma_start3A_722 : memref<1x1x32x128xf32, #tpu.memory_space<vmem>> -> memref<32x128xf32, #tpu.memory_space<vmem>>
      %dma_start3A_724 = arith.constant 0 : i32
      %dma_start3A_725 = tpu.memref_slice %arg5[%dma_start3A_724, %multiple_of3A_711] : memref<32x1000000xf32, #tpu.memory_space<hbm>> -> memref<32x128xf32, #tpu.memory_space<hbm>>
      tpu.enqueue_dma source(%dma_start3A_725 : memref<32x128xf32, #tpu.memory_space<hbm>>) target(%dma_start3A_723 : memref<32x128xf32, #tpu.memory_space<vmem>>) target_semaphore(%arg16 : memref<!tpu.dma_semaphore, #tpu.memory_space<semaphore_mem>>)
      %slice3A_726 = vector.extract_strided_slice %shift_left3A_640 {offsets = [5], sizes = [1], strides = [1]} : vector<16xi32> to vector<1xi32>
      %squeeze3A_727 = vector.extract %slice3A_726[0] : i32 from vector<1xi32>
      %multiple_of3A_728 = tpu.assume_multiple %squeeze3A_727, 128 : i32
      %dma_start3A_729 = arith.constant 1 : i32
      %dma_start3A_730 = arith.constant 1 : i32
      %dma_start3A_731 = arith.constant 0 : i32
      %dma_start3A_732 = arith.constant 0 : i32
      %dma_start3A_733 = tpu.memref_slice %arg10[%dma_start3A_729, %dma_start3A_730, %dma_start3A_731, %dma_start3A_732] : memref<2x4x32x128xf32, #tpu.memory_space<vmem>> -> memref<1x1x32x128xf32, #tpu.memory_space<vmem>>
      %dma_start3A_734 = tpu.memref_squeeze %dma_start3A_733 : memref<1x1x32x128xf32, #tpu.memory_space<vmem>> -> memref<32x128xf32, #tpu.memory_space<vmem>>
      %dma_start3A_735 = arith.constant 0 : i32
      %dma_start3A_736 = tpu.memref_slice %arg5[%dma_start3A_735, %multiple_of3A_728] : memref<32x1000000xf32, #tpu.memory_space<hbm>> -> memref<32x128xf32, #tpu.memory_space<hbm>>
      %dma_start3A_737 = arith.constant 0 : i32
      %dma_start3A_738 = arith.constant 0 : i32
      %dma_start3A_739 = tpu.memref_slice %arg10[%dma_start3A_729, %dma_start3A_730, %dma_start3A_737, %dma_start3A_738] : memref<2x4x32x128xf32, #tpu.memory_space<vmem>> -> memref<1x1x32x128xf32, #tpu.memory_space<vmem>>
      %dma_start3A_740 = tpu.memref_squeeze %dma_start3A_739 : memref<1x1x32x128xf32, #tpu.memory_space<vmem>> -> memref<32x128xf32, #tpu.memory_space<vmem>>
      %dma_start3A_741 = arith.constant 0 : i32
      %dma_start3A_742 = tpu.memref_slice %arg5[%dma_start3A_741, %multiple_of3A_728] : memref<32x1000000xf32, #tpu.memory_space<hbm>> -> memref<32x128xf32, #tpu.memory_space<hbm>>
      tpu.enqueue_dma source(%dma_start3A_742 : memref<32x128xf32, #tpu.memory_space<hbm>>) target(%dma_start3A_740 : memref<32x128xf32, #tpu.memory_space<vmem>>) target_semaphore(%arg16 : memref<!tpu.dma_semaphore, #tpu.memory_space<semaphore_mem>>)
      %slice3A_743 = vector.extract_strided_slice %shift_left3A_640 {offsets = [6], sizes = [1], strides = [1]} : vector<16xi32> to vector<1xi32>
      %squeeze3A_744 = vector.extract %slice3A_743[0] : i32 from vector<1xi32>
      %multiple_of3A_745 = tpu.assume_multiple %squeeze3A_744, 128 : i32
      %dma_start3A_746 = arith.constant 1 : i32
      %dma_start3A_747 = arith.constant 2 : i32
      %dma_start3A_748 = arith.constant 0 : i32
      %dma_start3A_749 = arith.constant 0 : i32
      %dma_start3A_750 = tpu.memref_slice %arg10[%dma_start3A_746, %dma_start3A_747, %dma_start3A_748, %dma_start3A_749] : memref<2x4x32x128xf32, #tpu.memory_space<vmem>> -> memref<1x1x32x128xf32, #tpu.memory_space<vmem>>
      %dma_start3A_751 = tpu.memref_squeeze %dma_start3A_750 : memref<1x1x32x128xf32, #tpu.memory_space<vmem>> -> memref<32x128xf32, #tpu.memory_space<vmem>>
      %dma_start3A_752 = arith.constant 0 : i32
      %dma_start3A_753 = tpu.memref_slice %arg5[%dma_start3A_752, %multiple_of3A_745] : memref<32x1000000xf32, #tpu.memory_space<hbm>> -> memref<32x128xf32, #tpu.memory_space<hbm>>
      %dma_start3A_754 = arith.constant 0 : i32
      %dma_start3A_755 = arith.constant 0 : i32
      %dma_start3A_756 = tpu.memref_slice %arg10[%dma_start3A_746, %dma_start3A_747, %dma_start3A_754, %dma_start3A_755] : memref<2x4x32x128xf32, #tpu.memory_space<vmem>> -> memref<1x1x32x128xf32, #tpu.memory_space<vmem>>
      %dma_start3A_757 = tpu.memref_squeeze %dma_start3A_756 : memref<1x1x32x128xf32, #tpu.memory_space<vmem>> -> memref<32x128xf32, #tpu.memory_space<vmem>>
      %dma_start3A_758 = arith.constant 0 : i32
      %dma_start3A_759 = tpu.memref_slice %arg5[%dma_start3A_758, %multiple_of3A_745] : memref<32x1000000xf32, #tpu.memory_space<hbm>> -> memref<32x128xf32, #tpu.memory_space<hbm>>
      tpu.enqueue_dma source(%dma_start3A_759 : memref<32x128xf32, #tpu.memory_space<hbm>>) target(%dma_start3A_757 : memref<32x128xf32, #tpu.memory_space<vmem>>) target_semaphore(%arg16 : memref<!tpu.dma_semaphore, #tpu.memory_space<semaphore_mem>>)
      %slice3A_760 = vector.extract_strided_slice %shift_left3A_640 {offsets = [7], sizes = [1], strides = [1]} : vector<16xi32> to vector<1xi32>
      %squeeze3A_761 = vector.extract %slice3A_760[0] : i32 from vector<1xi32>
      %multiple_of3A_762 = tpu.assume_multiple %squeeze3A_761, 128 : i32
      %dma_start3A_763 = arith.constant 1 : i32
      %dma_start3A_764 = arith.constant 3 : i32
      %dma_start3A_765 = arith.constant 0 : i32
      %dma_start3A_766 = arith.constant 0 : i32
      %dma_start3A_767 = tpu.memref_slice %arg10[%dma_start3A_763, %dma_start3A_764, %dma_start3A_765, %dma_start3A_766] : memref<2x4x32x128xf32, #tpu.memory_space<vmem>> -> memref<1x1x32x128xf32, #tpu.memory_space<vmem>>
      %dma_start3A_768 = tpu.memref_squeeze %dma_start3A_767 : memref<1x1x32x128xf32, #tpu.memory_space<vmem>> -> memref<32x128xf32, #tpu.memory_space<vmem>>
      %dma_start3A_769 = arith.constant 0 : i32
      %dma_start3A_770 = tpu.memref_slice %arg5[%dma_start3A_769, %multiple_of3A_762] : memref<32x1000000xf32, #tpu.memory_space<hbm>> -> memref<32x128xf32, #tpu.memory_space<hbm>>
      %dma_start3A_771 = arith.constant 0 : i32
      %dma_start3A_772 = arith.constant 0 : i32
      %dma_start3A_773 = tpu.memref_slice %arg10[%dma_start3A_763, %dma_start3A_764, %dma_start3A_771, %dma_start3A_772] : memref<2x4x32x128xf32, #tpu.memory_space<vmem>> -> memref<1x1x32x128xf32, #tpu.memory_space<vmem>>
      %dma_start3A_774 = tpu.memref_squeeze %dma_start3A_773 : memref<1x1x32x128xf32, #tpu.memory_space<vmem>> -> memref<32x128xf32, #tpu.memory_space<vmem>>
      %dma_start3A_775 = arith.constant 0 : i32
      %dma_start3A_776 = tpu.memref_slice %arg5[%dma_start3A_775, %multiple_of3A_762] : memref<32x1000000xf32, #tpu.memory_space<hbm>> -> memref<32x128xf32, #tpu.memory_space<hbm>>
      tpu.enqueue_dma source(%dma_start3A_776 : memref<32x128xf32, #tpu.memory_space<hbm>>) target(%dma_start3A_774 : memref<32x128xf32, #tpu.memory_space<vmem>>) target_semaphore(%arg16 : memref<!tpu.dma_semaphore, #tpu.memory_space<semaphore_mem>>)
      %dma_wait3A = arith.constant 0 : i32
      %dma_wait3A_777 = arith.constant 0 : i32
      %dma_wait3A_778 = arith.constant 0 : i32
      %dma_wait3A_779 = arith.constant 0 : i32
      %dma_wait3A_780 = tpu.memref_slice %arg9[%dma_wait3A, %dma_wait3A_777, %dma_wait3A_778, %dma_wait3A_779] : memref<2x4x32x128xf32, #tpu.memory_space<vmem>> -> memref<1x1x32x128xf32, #tpu.memory_space<vmem>>
      %dma_wait3A_781 = tpu.memref_squeeze %dma_wait3A_780 : memref<1x1x32x128xf32, #tpu.memory_space<vmem>> -> memref<32x128xf32, #tpu.memory_space<vmem>>
      %dma_wait3A_782 = arith.constant 0 : i32
      %dma_wait3A_783 = arith.constant 0 : i32
      %dma_wait3A_784 = tpu.memref_slice %arg4[%dma_wait3A_782, %dma_wait3A_783] : memref<32x1000000xf32, #tpu.memory_space<hbm>> -> memref<32x128xf32, #tpu.memory_space<hbm>>
      %dma_wait3A_785 = arith.constant 0 : i32
      %dma_wait3A_786 = arith.constant 0 : i32
      %dma_wait3A_787 = tpu.memref_slice %arg9[%dma_wait3A, %dma_wait3A_777, %dma_wait3A_785, %dma_wait3A_786] : memref<2x4x32x128xf32, #tpu.memory_space<vmem>> -> memref<1x1x32x128xf32, #tpu.memory_space<vmem>>
      %dma_wait3A_788 = tpu.memref_squeeze %dma_wait3A_787 : memref<1x1x32x128xf32, #tpu.memory_space<vmem>> -> memref<32x128xf32, #tpu.memory_space<vmem>>
      %dma_wait3A_789 = arith.constant 0 : i32
      %dma_wait3A_790 = arith.constant 0 : i32
      %dma_wait3A_791 = tpu.memref_slice %arg4[%dma_wait3A_789, %dma_wait3A_790] : memref<32x1000000xf32, #tpu.memory_space<hbm>> -> memref<32x128xf32, #tpu.memory_space<hbm>>
      tpu.wait_dma2 semaphore(%arg13 : memref<!tpu.dma_semaphore, #tpu.memory_space<semaphore_mem>>) src(%dma_wait3A_791 : memref<32x128xf32, #tpu.memory_space<hbm>>) dst(%dma_wait3A_788 : memref<32x128xf32, #tpu.memory_space<vmem>>)
      %dma_wait3A_792 = arith.constant 0 : i32
      %dma_wait3A_793 = arith.constant 0 : i32
      %dma_wait3A_794 = arith.constant 0 : i32
      %dma_wait3A_795 = arith.constant 0 : i32
      %dma_wait3A_796 = tpu.memref_slice %arg10[%dma_wait3A_792, %dma_wait3A_793, %dma_wait3A_794, %dma_wait3A_795] : memref<2x4x32x128xf32, #tpu.memory_space<vmem>> -> memref<1x1x32x128xf32, #tpu.memory_space<vmem>>
      %dma_wait3A_797 = tpu.memref_squeeze %dma_wait3A_796 : memref<1x1x32x128xf32, #tpu.memory_space<vmem>> -> memref<32x128xf32, #tpu.memory_space<vmem>>
      %dma_wait3A_798 = arith.constant 0 : i32
      %dma_wait3A_799 = arith.constant 0 : i32
      %dma_wait3A_800 = tpu.memref_slice %arg5[%dma_wait3A_798, %dma_wait3A_799] : memref<32x1000000xf32, #tpu.memory_space<hbm>> -> memref<32x128xf32, #tpu.memory_space<hbm>>
      %dma_wait3A_801 = arith.constant 0 : i32
      %dma_wait3A_802 = arith.constant 0 : i32
      %dma_wait3A_803 = tpu.memref_slice %arg10[%dma_wait3A_792, %dma_wait3A_793, %dma_wait3A_801, %dma_wait3A_802] : memref<2x4x32x128xf32, #tpu.memory_space<vmem>> -> memref<1x1x32x128xf32, #tpu.memory_space<vmem>>
      %dma_wait3A_804 = tpu.memref_squeeze %dma_wait3A_803 : memref<1x1x32x128xf32, #tpu.memory_space<vmem>> -> memref<32x128xf32, #tpu.memory_space<vmem>>
      %dma_wait3A_805 = arith.constant 0 : i32
      %dma_wait3A_806 = arith.constant 0 : i32
      %dma_wait3A_807 = tpu.memref_slice %arg5[%dma_wait3A_805, %dma_wait3A_806] : memref<32x1000000xf32, #tpu.memory_space<hbm>> -> memref<32x128xf32, #tpu.memory_space<hbm>>
      tpu.wait_dma2 semaphore(%arg14 : memref<!tpu.dma_semaphore, #tpu.memory_space<semaphore_mem>>) src(%dma_wait3A_807 : memref<32x128xf32, #tpu.memory_space<hbm>>) dst(%dma_wait3A_804 : memref<32x128xf32, #tpu.memory_space<vmem>>)
      %dma_wait3A_808 = arith.constant 0 : i32
      %dma_wait3A_809 = arith.constant 1 : i32
      %dma_wait3A_810 = arith.constant 0 : i32
      %dma_wait3A_811 = arith.constant 0 : i32
      %dma_wait3A_812 = tpu.memref_slice %arg9[%dma_wait3A_808, %dma_wait3A_809, %dma_wait3A_810, %dma_wait3A_811] : memref<2x4x32x128xf32, #tpu.memory_space<vmem>> -> memref<1x1x32x128xf32, #tpu.memory_space<vmem>>
      %dma_wait3A_813 = tpu.memref_squeeze %dma_wait3A_812 : memref<1x1x32x128xf32, #tpu.memory_space<vmem>> -> memref<32x128xf32, #tpu.memory_space<vmem>>
      %dma_wait3A_814 = arith.constant 0 : i32
      %dma_wait3A_815 = arith.constant 0 : i32
      %dma_wait3A_816 = tpu.memref_slice %arg4[%dma_wait3A_814, %dma_wait3A_815] : memref<32x1000000xf32, #tpu.memory_space<hbm>> -> memref<32x128xf32, #tpu.memory_space<hbm>>
      %dma_wait3A_817 = arith.constant 0 : i32
      %dma_wait3A_818 = arith.constant 0 : i32
      %dma_wait3A_819 = tpu.memref_slice %arg9[%dma_wait3A_808, %dma_wait3A_809, %dma_wait3A_817, %dma_wait3A_818] : memref<2x4x32x128xf32, #tpu.memory_space<vmem>> -> memref<1x1x32x128xf32, #tpu.memory_space<vmem>>
      %dma_wait3A_820 = tpu.memref_squeeze %dma_wait3A_819 : memref<1x1x32x128xf32, #tpu.memory_space<vmem>> -> memref<32x128xf32, #tpu.memory_space<vmem>>
      %dma_wait3A_821 = arith.constant 0 : i32
      %dma_wait3A_822 = arith.constant 0 : i32
      %dma_wait3A_823 = tpu.memref_slice %arg4[%dma_wait3A_821, %dma_wait3A_822] : memref<32x1000000xf32, #tpu.memory_space<hbm>> -> memref<32x128xf32, #tpu.memory_space<hbm>>
      tpu.wait_dma2 semaphore(%arg13 : memref<!tpu.dma_semaphore, #tpu.memory_space<semaphore_mem>>) src(%dma_wait3A_823 : memref<32x128xf32, #tpu.memory_space<hbm>>) dst(%dma_wait3A_820 : memref<32x128xf32, #tpu.memory_space<vmem>>)
      %dma_wait3A_824 = arith.constant 0 : i32
      %dma_wait3A_825 = arith.constant 1 : i32
      %dma_wait3A_826 = arith.constant 0 : i32
      %dma_wait3A_827 = arith.constant 0 : i32
      %dma_wait3A_828 = tpu.memref_slice %arg10[%dma_wait3A_824, %dma_wait3A_825, %dma_wait3A_826, %dma_wait3A_827] : memref<2x4x32x128xf32, #tpu.memory_space<vmem>> -> memref<1x1x32x128xf32, #tpu.memory_space<vmem>>
      %dma_wait3A_829 = tpu.memref_squeeze %dma_wait3A_828 : memref<1x1x32x128xf32, #tpu.memory_space<vmem>> -> memref<32x128xf32, #tpu.memory_space<vmem>>
      %dma_wait3A_830 = arith.constant 0 : i32
      %dma_wait3A_831 = arith.constant 0 : i32
      %dma_wait3A_832 = tpu.memref_slice %arg5[%dma_wait3A_830, %dma_wait3A_831] : memref<32x1000000xf32, #tpu.memory_space<hbm>> -> memref<32x128xf32, #tpu.memory_space<hbm>>
      %dma_wait3A_833 = arith.constant 0 : i32
      %dma_wait3A_834 = arith.constant 0 : i32
      %dma_wait3A_835 = tpu.memref_slice %arg10[%dma_wait3A_824, %dma_wait3A_825, %dma_wait3A_833, %dma_wait3A_834] : memref<2x4x32x128xf32, #tpu.memory_space<vmem>> -> memref<1x1x32x128xf32, #tpu.memory_space<vmem>>
      %dma_wait3A_836 = tpu.memref_squeeze %dma_wait3A_835 : memref<1x1x32x128xf32, #tpu.memory_space<vmem>> -> memref<32x128xf32, #tpu.memory_space<vmem>>
      %dma_wait3A_837 = arith.constant 0 : i32
      %dma_wait3A_838 = arith.constant 0 : i32
      %dma_wait3A_839 = tpu.memref_slice %arg5[%dma_wait3A_837, %dma_wait3A_838] : memref<32x1000000xf32, #tpu.memory_space<hbm>> -> memref<32x128xf32, #tpu.memory_space<hbm>>
      tpu.wait_dma2 semaphore(%arg14 : memref<!tpu.dma_semaphore, #tpu.memory_space<semaphore_mem>>) src(%dma_wait3A_839 : memref<32x128xf32, #tpu.memory_space<hbm>>) dst(%dma_wait3A_836 : memref<32x128xf32, #tpu.memory_space<vmem>>)
      %dma_wait3A_840 = arith.constant 0 : i32
      %dma_wait3A_841 = arith.constant 2 : i32
      %dma_wait3A_842 = arith.constant 0 : i32
      %dma_wait3A_843 = arith.constant 0 : i32
      %dma_wait3A_844 = tpu.memref_slice %arg9[%dma_wait3A_840, %dma_wait3A_841, %dma_wait3A_842, %dma_wait3A_843] : memref<2x4x32x128xf32, #tpu.memory_space<vmem>> -> memref<1x1x32x128xf32, #tpu.memory_space<vmem>>
      %dma_wait3A_845 = tpu.memref_squeeze %dma_wait3A_844 : memref<1x1x32x128xf32, #tpu.memory_space<vmem>> -> memref<32x128xf32, #tpu.memory_space<vmem>>
      %dma_wait3A_846 = arith.constant 0 : i32
      %dma_wait3A_847 = arith.constant 0 : i32
      %dma_wait3A_848 = tpu.memref_slice %arg4[%dma_wait3A_846, %dma_wait3A_847] : memref<32x1000000xf32, #tpu.memory_space<hbm>> -> memref<32x128xf32, #tpu.memory_space<hbm>>
      %dma_wait3A_849 = arith.constant 0 : i32
      %dma_wait3A_850 = arith.constant 0 : i32
      %dma_wait3A_851 = tpu.memref_slice %arg9[%dma_wait3A_840, %dma_wait3A_841, %dma_wait3A_849, %dma_wait3A_850] : memref<2x4x32x128xf32, #tpu.memory_space<vmem>> -> memref<1x1x32x128xf32, #tpu.memory_space<vmem>>
      %dma_wait3A_852 = tpu.memref_squeeze %dma_wait3A_851 : memref<1x1x32x128xf32, #tpu.memory_space<vmem>> -> memref<32x128xf32, #tpu.memory_space<vmem>>
      %dma_wait3A_853 = arith.constant 0 : i32
      %dma_wait3A_854 = arith.constant 0 : i32
      %dma_wait3A_855 = tpu.memref_slice %arg4[%dma_wait3A_853, %dma_wait3A_854] : memref<32x1000000xf32, #tpu.memory_space<hbm>> -> memref<32x128xf32, #tpu.memory_space<hbm>>
      tpu.wait_dma2 semaphore(%arg13 : memref<!tpu.dma_semaphore, #tpu.memory_space<semaphore_mem>>) src(%dma_wait3A_855 : memref<32x128xf32, #tpu.memory_space<hbm>>) dst(%dma_wait3A_852 : memref<32x128xf32, #tpu.memory_space<vmem>>)
      %dma_wait3A_856 = arith.constant 0 : i32
      %dma_wait3A_857 = arith.constant 2 : i32
      %dma_wait3A_858 = arith.constant 0 : i32
      %dma_wait3A_859 = arith.constant 0 : i32
      %dma_wait3A_860 = tpu.memref_slice %arg10[%dma_wait3A_856, %dma_wait3A_857, %dma_wait3A_858, %dma_wait3A_859] : memref<2x4x32x128xf32, #tpu.memory_space<vmem>> -> memref<1x1x32x128xf32, #tpu.memory_space<vmem>>
      %dma_wait3A_861 = tpu.memref_squeeze %dma_wait3A_860 : memref<1x1x32x128xf32, #tpu.memory_space<vmem>> -> memref<32x128xf32, #tpu.memory_space<vmem>>
      %dma_wait3A_862 = arith.constant 0 : i32
      %dma_wait3A_863 = arith.constant 0 : i32
      %dma_wait3A_864 = tpu.memref_slice %arg5[%dma_wait3A_862, %dma_wait3A_863] : memref<32x1000000xf32, #tpu.memory_space<hbm>> -> memref<32x128xf32, #tpu.memory_space<hbm>>
      %dma_wait3A_865 = arith.constant 0 : i32
      %dma_wait3A_866 = arith.constant 0 : i32
      %dma_wait3A_867 = tpu.memref_slice %arg10[%dma_wait3A_856, %dma_wait3A_857, %dma_wait3A_865, %dma_wait3A_866] : memref<2x4x32x128xf32, #tpu.memory_space<vmem>> -> memref<1x1x32x128xf32, #tpu.memory_space<vmem>>
      %dma_wait3A_868 = tpu.memref_squeeze %dma_wait3A_867 : memref<1x1x32x128xf32, #tpu.memory_space<vmem>> -> memref<32x128xf32, #tpu.memory_space<vmem>>
      %dma_wait3A_869 = arith.constant 0 : i32
      %dma_wait3A_870 = arith.constant 0 : i32
      %dma_wait3A_871 = tpu.memref_slice %arg5[%dma_wait3A_869, %dma_wait3A_870] : memref<32x1000000xf32, #tpu.memory_space<hbm>> -> memref<32x128xf32, #tpu.memory_space<hbm>>
      tpu.wait_dma2 semaphore(%arg14 : memref<!tpu.dma_semaphore, #tpu.memory_space<semaphore_mem>>) src(%dma_wait3A_871 : memref<32x128xf32, #tpu.memory_space<hbm>>) dst(%dma_wait3A_868 : memref<32x128xf32, #tpu.memory_space<vmem>>)
      %dma_wait3A_872 = arith.constant 0 : i32
      %dma_wait3A_873 = arith.constant 3 : i32
      %dma_wait3A_874 = arith.constant 0 : i32
      %dma_wait3A_875 = arith.constant 0 : i32
      %dma_wait3A_876 = tpu.memref_slice %arg9[%dma_wait3A_872, %dma_wait3A_873, %dma_wait3A_874, %dma_wait3A_875] : memref<2x4x32x128xf32, #tpu.memory_space<vmem>> -> memref<1x1x32x128xf32, #tpu.memory_space<vmem>>
      %dma_wait3A_877 = tpu.memref_squeeze %dma_wait3A_876 : memref<1x1x32x128xf32, #tpu.memory_space<vmem>> -> memref<32x128xf32, #tpu.memory_space<vmem>>
      %dma_wait3A_878 = arith.constant 0 : i32
      %dma_wait3A_879 = arith.constant 0 : i32
      %dma_wait3A_880 = tpu.memref_slice %arg4[%dma_wait3A_878, %dma_wait3A_879] : memref<32x1000000xf32, #tpu.memory_space<hbm>> -> memref<32x128xf32, #tpu.memory_space<hbm>>
      %dma_wait3A_881 = arith.constant 0 : i32
      %dma_wait3A_882 = arith.constant 0 : i32
      %dma_wait3A_883 = tpu.memref_slice %arg9[%dma_wait3A_872, %dma_wait3A_873, %dma_wait3A_881, %dma_wait3A_882] : memref<2x4x32x128xf32, #tpu.memory_space<vmem>> -> memref<1x1x32x128xf32, #tpu.memory_space<vmem>>
      %dma_wait3A_884 = tpu.memref_squeeze %dma_wait3A_883 : memref<1x1x32x128xf32, #tpu.memory_space<vmem>> -> memref<32x128xf32, #tpu.memory_space<vmem>>
      %dma_wait3A_885 = arith.constant 0 : i32
      %dma_wait3A_886 = arith.constant 0 : i32
      %dma_wait3A_887 = tpu.memref_slice %arg4[%dma_wait3A_885, %dma_wait3A_886] : memref<32x1000000xf32, #tpu.memory_space<hbm>> -> memref<32x128xf32, #tpu.memory_space<hbm>>
      tpu.wait_dma2 semaphore(%arg13 : memref<!tpu.dma_semaphore, #tpu.memory_space<semaphore_mem>>) src(%dma_wait3A_887 : memref<32x128xf32, #tpu.memory_space<hbm>>) dst(%dma_wait3A_884 : memref<32x128xf32, #tpu.memory_space<vmem>>)
      %dma_wait3A_888 = arith.constant 0 : i32
      %dma_wait3A_889 = arith.constant 3 : i32
      %dma_wait3A_890 = arith.constant 0 : i32
      %dma_wait3A_891 = arith.constant 0 : i32
      %dma_wait3A_892 = tpu.memref_slice %arg10[%dma_wait3A_888, %dma_wait3A_889, %dma_wait3A_890, %dma_wait3A_891] : memref<2x4x32x128xf32, #tpu.memory_space<vmem>> -> memref<1x1x32x128xf32, #tpu.memory_space<vmem>>
      %dma_wait3A_893 = tpu.memref_squeeze %dma_wait3A_892 : memref<1x1x32x128xf32, #tpu.memory_space<vmem>> -> memref<32x128xf32, #tpu.memory_space<vmem>>
      %dma_wait3A_894 = arith.constant 0 : i32
      %dma_wait3A_895 = arith.constant 0 : i32
      %dma_wait3A_896 = tpu.memref_slice %arg5[%dma_wait3A_894, %dma_wait3A_895] : memref<32x1000000xf32, #tpu.memory_space<hbm>> -> memref<32x128xf32, #tpu.memory_space<hbm>>
      %dma_wait3A_897 = arith.constant 0 : i32
      %dma_wait3A_898 = arith.constant 0 : i32
      %dma_wait3A_899 = tpu.memref_slice %arg10[%dma_wait3A_888, %dma_wait3A_889, %dma_wait3A_897, %dma_wait3A_898] : memref<2x4x32x128xf32, #tpu.memory_space<vmem>> -> memref<1x1x32x128xf32, #tpu.memory_space<vmem>>
      %dma_wait3A_900 = tpu.memref_squeeze %dma_wait3A_899 : memref<1x1x32x128xf32, #tpu.memory_space<vmem>> -> memref<32x128xf32, #tpu.memory_space<vmem>>
      %dma_wait3A_901 = arith.constant 0 : i32
      %dma_wait3A_902 = arith.constant 0 : i32
      %dma_wait3A_903 = tpu.memref_slice %arg5[%dma_wait3A_901, %dma_wait3A_902] : memref<32x1000000xf32, #tpu.memory_space<hbm>> -> memref<32x128xf32, #tpu.memory_space<hbm>>
      tpu.wait_dma2 semaphore(%arg14 : memref<!tpu.dma_semaphore, #tpu.memory_space<semaphore_mem>>) src(%dma_wait3A_903 : memref<32x128xf32, #tpu.memory_space<hbm>>) dst(%dma_wait3A_900 : memref<32x128xf32, #tpu.memory_space<vmem>>)
      %broadcast_in_dim3A = vector.broadcast %mul3A_624 : i32 to vector<16xi32>
      %add3A_904 = arith.addi %broadcast_in_dim3A, %select_n3A : vector<16xi32>
      %gather3A = tpu.vector_load_idx %arg7[%add3A_904] : memref<528xi32, #tpu.memory_space<vmem>>[vector<16xi32>], vector<16xi32>,
      %and3A_905 = arith.constant 127 : i32
      %and3A_906 = vector.broadcast %and3A_905 : i32 to vector<16xi32>
      %and3A_907 = arith.andi %gather3A, %and3A_906 : vector<16xi32>
      %gather3A_908 = tpu.vector_load_idx %arg8[%add3A_904] : memref<528xi32, #tpu.memory_space<vmem>>[vector<16xi32>], vector<16xi32>,
      %and3A_909 = arith.constant 127 : i32
      %and3A_910 = vector.broadcast %and3A_909 : i32 to vector<16xi32>
      %and3A_911 = arith.andi %gather3A_908, %and3A_910 : vector<16xi32>
      %broadcast_in_dim3A_912 = arith.constant 0 : i32
      %broadcast_in_dim3A_913 = vector.broadcast %broadcast_in_dim3A_912 : i32 to vector<16xi32>
      %broadcast_in_dim3A_914 = arith.constant 0.000000e+00 : f32
      %broadcast_in_dim3A_915 = vector.broadcast %broadcast_in_dim3A_914 : f32 to vector<16xf32>
      %add3A_916 = arith.constant 0 : i32
      %add3A_917 = vector.broadcast %add3A_916 : i32 to vector<16xi32>
      %add3A_918 = arith.addi %shift_left3A_15, %add3A_917 : vector<16xi32>
      %gather3A_919 = tpu.vector_load_idx %arg9[%broadcast_in_dim3A_913, %select_n3A, %add3A_918, %and3A_907] : memref<2x4x32x128xf32, #tpu.memory_space<vmem>>[vector<16xi32>, vector<16xi32>, vector<16xi32>, vector<16xi32>], vector<16xf32>,
      %gather3A_920 = tpu.vector_load_idx %arg10[%broadcast_in_dim3A_913, %select_n3A, %add3A_918, %and3A_911] : memref<2x4x32x128xf32, #tpu.memory_space<vmem>>[vector<16xi32>, vector<16xi32>, vector<16xi32>, vector<16xi32>], vector<16xf32>,
      %mul3A_921 = arith.mulf %gather3A_919, %gather3A_920 : vector<16xf32>
      %add3A_922 = arith.addf %broadcast_in_dim3A_915, %mul3A_921 : vector<16xf32>
      %add3A_923 = arith.constant 1 : i32
      %add3A_924 = vector.broadcast %add3A_923 : i32 to vector<16xi32>
      %add3A_925 = arith.addi %shift_left3A_15, %add3A_924 : vector<16xi32>
      %gather3A_926 = tpu.vector_load_idx %arg9[%broadcast_in_dim3A_913, %select_n3A, %add3A_925, %and3A_907] : memref<2x4x32x128xf32, #tpu.memory_space<vmem>>[vector<16xi32>, vector<16xi32>, vector<16xi32>, vector<16xi32>], vector<16xf32>,
      %gather3A_927 = tpu.vector_load_idx %arg10[%broadcast_in_dim3A_913, %select_n3A, %add3A_925, %and3A_911] : memref<2x4x32x128xf32, #tpu.memory_space<vmem>>[vector<16xi32>, vector<16xi32>, vector<16xi32>, vector<16xi32>], vector<16xf32>,
      %mul3A_928 = arith.mulf %gather3A_926, %gather3A_927 : vector<16xf32>
      %add3A_929 = arith.addf %add3A_922, %mul3A_928 : vector<16xf32>
      %add3A_930 = arith.constant 2 : i32
      %add3A_931 = vector.broadcast %add3A_930 : i32 to vector<16xi32>
      %add3A_932 = arith.addi %shift_left3A_15, %add3A_931 : vector<16xi32>
      %gather3A_933 = tpu.vector_load_idx %arg9[%broadcast_in_dim3A_913, %select_n3A, %add3A_932, %and3A_907] : memref<2x4x32x128xf32, #tpu.memory_space<vmem>>[vector<16xi32>, vector<16xi32>, vector<16xi32>, vector<16xi32>], vector<16xf32>,
      %gather3A_934 = tpu.vector_load_idx %arg10[%broadcast_in_dim3A_913, %select_n3A, %add3A_932, %and3A_911] : memref<2x4x32x128xf32, #tpu.memory_space<vmem>>[vector<16xi32>, vector<16xi32>, vector<16xi32>, vector<16xi32>], vector<16xf32>,
      %mul3A_935 = arith.mulf %gather3A_933, %gather3A_934 : vector<16xf32>
      %add3A_936 = arith.addf %add3A_929, %mul3A_935 : vector<16xf32>
      %add3A_937 = arith.constant 3 : i32
      %add3A_938 = vector.broadcast %add3A_937 : i32 to vector<16xi32>
      %add3A_939 = arith.addi %shift_left3A_15, %add3A_938 : vector<16xi32>
      %gather3A_940 = tpu.vector_load_idx %arg9[%broadcast_in_dim3A_913, %select_n3A, %add3A_939, %and3A_907] : memref<2x4x32x128xf32, #tpu.memory_space<vmem>>[vector<16xi32>, vector<16xi32>, vector<16xi32>, vector<16xi32>], vector<16xf32>,
      %gather3A_941 = tpu.vector_load_idx %arg10[%broadcast_in_dim3A_913, %select_n3A, %add3A_939, %and3A_911] : memref<2x4x32x128xf32, #tpu.memory_space<vmem>>[vector<16xi32>, vector<16xi32>, vector<16xi32>, vector<16xi32>], vector<16xf32>,
      %mul3A_942 = arith.mulf %gather3A_940, %gather3A_941 : vector<16xf32>
      %add3A_943 = arith.addf %add3A_936, %mul3A_942 : vector<16xf32>
      %add3A_944 = arith.constant 4 : i32
      %add3A_945 = vector.broadcast %add3A_944 : i32 to vector<16xi32>
      %add3A_946 = arith.addi %shift_left3A_15, %add3A_945 : vector<16xi32>
      %gather3A_947 = tpu.vector_load_idx %arg9[%broadcast_in_dim3A_913, %select_n3A, %add3A_946, %and3A_907] : memref<2x4x32x128xf32, #tpu.memory_space<vmem>>[vector<16xi32>, vector<16xi32>, vector<16xi32>, vector<16xi32>], vector<16xf32>,
      %gather3A_948 = tpu.vector_load_idx %arg10[%broadcast_in_dim3A_913, %select_n3A, %add3A_946, %and3A_911] : memref<2x4x32x128xf32, #tpu.memory_space<vmem>>[vector<16xi32>, vector<16xi32>, vector<16xi32>, vector<16xi32>], vector<16xf32>,
      %mul3A_949 = arith.mulf %gather3A_947, %gather3A_948 : vector<16xf32>
      %add3A_950 = arith.addf %add3A_943, %mul3A_949 : vector<16xf32>
      %add3A_951 = arith.constant 5 : i32
      %add3A_952 = vector.broadcast %add3A_951 : i32 to vector<16xi32>
      %add3A_953 = arith.addi %shift_left3A_15, %add3A_952 : vector<16xi32>
      %gather3A_954 = tpu.vector_load_idx %arg9[%broadcast_in_dim3A_913, %select_n3A, %add3A_953, %and3A_907] : memref<2x4x32x128xf32, #tpu.memory_space<vmem>>[vector<16xi32>, vector<16xi32>, vector<16xi32>, vector<16xi32>], vector<16xf32>,
      %gather3A_955 = tpu.vector_load_idx %arg10[%broadcast_in_dim3A_913, %select_n3A, %add3A_953, %and3A_911] : memref<2x4x32x128xf32, #tpu.memory_space<vmem>>[vector<16xi32>, vector<16xi32>, vector<16xi32>, vector<16xi32>], vector<16xf32>,
      %mul3A_956 = arith.mulf %gather3A_954, %gather3A_955 : vector<16xf32>
      %add3A_957 = arith.addf %add3A_950, %mul3A_956 : vector<16xf32>
      %add3A_958 = arith.constant 6 : i32
      %add3A_959 = vector.broadcast %add3A_958 : i32 to vector<16xi32>
      %add3A_960 = arith.addi %shift_left3A_15, %add3A_959 : vector<16xi32>
      %gather3A_961 = tpu.vector_load_idx %arg9[%broadcast_in_dim3A_913, %select_n3A, %add3A_960, %and3A_907] : memref<2x4x32x128xf32, #tpu.memory_space<vmem>>[vector<16xi32>, vector<16xi32>, vector<16xi32>, vector<16xi32>], vector<16xf32>,
      %gather3A_962 = tpu.vector_load_idx %arg10[%broadcast_in_dim3A_913, %select_n3A, %add3A_960, %and3A_911] : memref<2x4x32x128xf32, #tpu.memory_space<vmem>>[vector<16xi32>, vector<16xi32>, vector<16xi32>, vector<16xi32>], vector<16xf32>,
      %mul3A_963 = arith.mulf %gather3A_961, %gather3A_962 : vector<16xf32>
      %add3A_964 = arith.addf %add3A_957, %mul3A_963 : vector<16xf32>
      %add3A_965 = arith.constant 7 : i32
      %add3A_966 = vector.broadcast %add3A_965 : i32 to vector<16xi32>
      %add3A_967 = arith.addi %shift_left3A_15, %add3A_966 : vector<16xi32>
      %gather3A_968 = tpu.vector_load_idx %arg9[%broadcast_in_dim3A_913, %select_n3A, %add3A_967, %and3A_907] : memref<2x4x32x128xf32, #tpu.memory_space<vmem>>[vector<16xi32>, vector<16xi32>, vector<16xi32>, vector<16xi32>], vector<16xf32>,
      %gather3A_969 = tpu.vector_load_idx %arg10[%broadcast_in_dim3A_913, %select_n3A, %add3A_967, %and3A_911] : memref<2x4x32x128xf32, #tpu.memory_space<vmem>>[vector<16xi32>, vector<16xi32>, vector<16xi32>, vector<16xi32>], vector<16xf32>,
      %mul3A_970 = arith.mulf %gather3A_968, %gather3A_969 : vector<16xf32>
      %add3A_971 = arith.addf %add3A_964, %mul3A_970 : vector<16xf32>
      %rev3A = arith.constant 15 : i32
      %rev3A_972 = vector.broadcast %rev3A : i32 to vector<16xi32>
      %rev3A_973 = tpu.iota {dimensions = array<i32: 0>} : vector<16xi32>
      %rev3A_974 = arith.subi %rev3A_972, %rev3A_973 : vector<16xi32>
      %rev3A_975 = tpu.dynamic_gather %add3A_971[%rev3A_974] in [0] : vector<16xf32>, vector<16xi32> -> vector<16xf32>
      %add3A_976 = arith.addf %add3A_971, %rev3A_975 : vector<16xf32>
      %swap3A_977 = arith.constant 0 : index
      %swap3A_978 = tpu.vector_load %arg11[%swap3A_977] {strides = array<i32>} : memref<16xf32, #tpu.memory_space<vmem>>, vector<16xf32>,
      tpu.vector_store %arg11[%swap3A_977], %add3A_976 {strides = array<i32>} : memref<16xf32, #tpu.memory_space<vmem>>, vector<16xf32>,
      %xor3A = arith.constant 4 : i32
      %xor3A_979 = vector.broadcast %xor3A : i32 to vector<16xi32>
      %xor3A_980 = arith.xori %iota3A, %xor3A_979 : vector<16xi32>
      %gather3A_981 = tpu.vector_load_idx %arg11[%xor3A_980] : memref<16xf32, #tpu.memory_space<vmem>>[vector<16xi32>], vector<16xf32>,
      %add3A_982 = arith.addf %add3A_976, %gather3A_981 : vector<16xf32>
      %broadcast_in_dim3A_983 = vector.broadcast %mul3A_624 : i32 to vector<16xi32>
      %add3A_984 = arith.addi %broadcast_in_dim3A_983, %and3A_21 : vector<16xi32>
      tpu.vector_store_idx %arg12[%add3A_984], %add3A_982 masked %lt3A_18 : memref<512xf32, #tpu.memory_space<vmem>>[vector<16xi32>], vector<16xf32>, vector<16xi1>
      %add3A_985 = arith.constant 1 : i32
      %add3A_986 = arith.addi %scan3A_619, %add3A_985 : i32
      %lt3A_987 = arith.constant 64 : i32
      %lt3A_988 = arith.cmpi slt, %add3A_986, %lt3A_987 : i32
      %convert_element_type3A = arith.extui %lt3A_988 : i1 to i32
      %cond3A = arith.constant 0 : i32
      %cond3A_989 = arith.cmpi ne, %convert_element_type3A, %cond3A : i32
      scf.if %cond3A_989 {
        %slice3A_1206 = vector.extract_strided_slice %shift_left3A_634 {offsets = [8], sizes = [1], strides = [1]} : vector<16xi32> to vector<1xi32>
        %squeeze3A_1207 = vector.extract %slice3A_1206[0] : i32 from vector<1xi32>
        %multiple_of3A_1208 = tpu.assume_multiple %squeeze3A_1207, 128 : i32
        %dma_start3A_1209 = arith.constant 0 : i32
        %dma_start3A_1210 = arith.constant 0 : i32
        %dma_start3A_1211 = arith.constant 0 : i32
        %dma_start3A_1212 = arith.constant 0 : i32
        %dma_start3A_1213 = tpu.memref_slice %arg9[%dma_start3A_1209, %dma_start3A_1210, %dma_start3A_1211, %dma_start3A_1212] : memref<2x4x32x128xf32, #tpu.memory_space<vmem>> -> memref<1x1x32x128xf32, #tpu.memory_space<vmem>>
        %dma_start3A_1214 = tpu.memref_squeeze %dma_start3A_1213 : memref<1x1x32x128xf32, #tpu.memory_space<vmem>> -> memref<32x128xf32, #tpu.memory_space<vmem>>
        %dma_start3A_1215 = arith.constant 0 : i32
        %dma_start3A_1216 = tpu.memref_slice %arg4[%dma_start3A_1215, %multiple_of3A_1208] : memref<32x1000000xf32, #tpu.memory_space<hbm>> -> memref<32x128xf32, #tpu.memory_space<hbm>>
        %dma_start3A_1217 = arith.constant 0 : i32
        %dma_start3A_1218 = arith.constant 0 : i32
        %dma_start3A_1219 = tpu.memref_slice %arg9[%dma_start3A_1209, %dma_start3A_1210, %dma_start3A_1217, %dma_start3A_1218] : memref<2x4x32x128xf32, #tpu.memory_space<vmem>> -> memref<1x1x32x128xf32, #tpu.memory_space<vmem>>
        %dma_start3A_1220 = tpu.memref_squeeze %dma_start3A_1219 : memref<1x1x32x128xf32, #tpu.memory_space<vmem>> -> memref<32x128xf32, #tpu.memory_space<vmem>>
        %dma_start3A_1221 = arith.constant 0 : i32
        %dma_start3A_1222 = tpu.memref_slice %arg4[%dma_start3A_1221, %multiple_of3A_1208] : memref<32x1000000xf32, #tpu.memory_space<hbm>> -> memref<32x128xf32, #tpu.memory_space<hbm>>
        tpu.enqueue_dma source(%dma_start3A_1222 : memref<32x128xf32, #tpu.memory_space<hbm>>) target(%dma_start3A_1220 : memref<32x128xf32, #tpu.memory_space<vmem>>) target_semaphore(%arg13 : memref<!tpu.dma_semaphore, #tpu.memory_space<semaphore_mem>>)
        %slice3A_1223 = vector.extract_strided_slice %shift_left3A_634 {offsets = [9], sizes = [1], strides = [1]} : vector<16xi32> to vector<1xi32>
        %squeeze3A_1224 = vector.extract %slice3A_1223[0] : i32 from vector<1xi32>
        %multiple_of3A_1225 = tpu.assume_multiple %squeeze3A_1224, 128 : i32
        %dma_start3A_1226 = arith.constant 0 : i32
        %dma_start3A_1227 = arith.constant 1 : i32
        %dma_start3A_1228 = arith.constant 0 : i32
        %dma_start3A_1229 = arith.constant 0 : i32
        %dma_start3A_1230 = tpu.memref_slice %arg9[%dma_start3A_1226, %dma_start3A_1227, %dma_start3A_1228, %dma_start3A_1229] : memref<2x4x32x128xf32, #tpu.memory_space<vmem>> -> memref<1x1x32x128xf32, #tpu.memory_space<vmem>>
        %dma_start3A_1231 = tpu.memref_squeeze %dma_start3A_1230 : memref<1x1x32x128xf32, #tpu.memory_space<vmem>> -> memref<32x128xf32, #tpu.memory_space<vmem>>
        %dma_start3A_1232 = arith.constant 0 : i32
        %dma_start3A_1233 = tpu.memref_slice %arg4[%dma_start3A_1232, %multiple_of3A_1225] : memref<32x1000000xf32, #tpu.memory_space<hbm>> -> memref<32x128xf32, #tpu.memory_space<hbm>>
        %dma_start3A_1234 = arith.constant 0 : i32
        %dma_start3A_1235 = arith.constant 0 : i32
        %dma_start3A_1236 = tpu.memref_slice %arg9[%dma_start3A_1226, %dma_start3A_1227, %dma_start3A_1234, %dma_start3A_1235] : memref<2x4x32x128xf32, #tpu.memory_space<vmem>> -> memref<1x1x32x128xf32, #tpu.memory_space<vmem>>
        %dma_start3A_1237 = tpu.memref_squeeze %dma_start3A_1236 : memref<1x1x32x128xf32, #tpu.memory_space<vmem>> -> memref<32x128xf32, #tpu.memory_space<vmem>>
        %dma_start3A_1238 = arith.constant 0 : i32
        %dma_start3A_1239 = tpu.memref_slice %arg4[%dma_start3A_1238, %multiple_of3A_1225] : memref<32x1000000xf32, #tpu.memory_space<hbm>> -> memref<32x128xf32, #tpu.memory_space<hbm>>
        tpu.enqueue_dma source(%dma_start3A_1239 : memref<32x128xf32, #tpu.memory_space<hbm>>) target(%dma_start3A_1237 : memref<32x128xf32, #tpu.memory_space<vmem>>) target_semaphore(%arg13 : memref<!tpu.dma_semaphore, #tpu.memory_space<semaphore_mem>>)
        %slice3A_1240 = vector.extract_strided_slice %shift_left3A_634 {offsets = [10], sizes = [1], strides = [1]} : vector<16xi32> to vector<1xi32>
        %squeeze3A_1241 = vector.extract %slice3A_1240[0] : i32 from vector<1xi32>
        %multiple_of3A_1242 = tpu.assume_multiple %squeeze3A_1241, 128 : i32
        %dma_start3A_1243 = arith.constant 0 : i32
        %dma_start3A_1244 = arith.constant 2 : i32
        %dma_start3A_1245 = arith.constant 0 : i32
        %dma_start3A_1246 = arith.constant 0 : i32
        %dma_start3A_1247 = tpu.memref_slice %arg9[%dma_start3A_1243, %dma_start3A_1244, %dma_start3A_1245, %dma_start3A_1246] : memref<2x4x32x128xf32, #tpu.memory_space<vmem>> -> memref<1x1x32x128xf32, #tpu.memory_space<vmem>>
        %dma_start3A_1248 = tpu.memref_squeeze %dma_start3A_1247 : memref<1x1x32x128xf32, #tpu.memory_space<vmem>> -> memref<32x128xf32, #tpu.memory_space<vmem>>
        %dma_start3A_1249 = arith.constant 0 : i32
        %dma_start3A_1250 = tpu.memref_slice %arg4[%dma_start3A_1249, %multiple_of3A_1242] : memref<32x1000000xf32, #tpu.memory_space<hbm>> -> memref<32x128xf32, #tpu.memory_space<hbm>>
        %dma_start3A_1251 = arith.constant 0 : i32
        %dma_start3A_1252 = arith.constant 0 : i32
        %dma_start3A_1253 = tpu.memref_slice %arg9[%dma_start3A_1243, %dma_start3A_1244, %dma_start3A_1251, %dma_start3A_1252] : memref<2x4x32x128xf32, #tpu.memory_space<vmem>> -> memref<1x1x32x128xf32, #tpu.memory_space<vmem>>
        %dma_start3A_1254 = tpu.memref_squeeze %dma_start3A_1253 : memref<1x1x32x128xf32, #tpu.memory_space<vmem>> -> memref<32x128xf32, #tpu.memory_space<vmem>>
        %dma_start3A_1255 = arith.constant 0 : i32
        %dma_start3A_1256 = tpu.memref_slice %arg4[%dma_start3A_1255, %multiple_of3A_1242] : memref<32x1000000xf32, #tpu.memory_space<hbm>> -> memref<32x128xf32, #tpu.memory_space<hbm>>
        tpu.enqueue_dma source(%dma_start3A_1256 : memref<32x128xf32, #tpu.memory_space<hbm>>) target(%dma_start3A_1254 : memref<32x128xf32, #tpu.memory_space<vmem>>) target_semaphore(%arg13 : memref<!tpu.dma_semaphore, #tpu.memory_space<semaphore_mem>>)
        %slice3A_1257 = vector.extract_strided_slice %shift_left3A_634 {offsets = [11], sizes = [1], strides = [1]} : vector<16xi32> to vector<1xi32>
        %squeeze3A_1258 = vector.extract %slice3A_1257[0] : i32 from vector<1xi32>
        %multiple_of3A_1259 = tpu.assume_multiple %squeeze3A_1258, 128 : i32
        %dma_start3A_1260 = arith.constant 0 : i32
        %dma_start3A_1261 = arith.constant 3 : i32
        %dma_start3A_1262 = arith.constant 0 : i32
        %dma_start3A_1263 = arith.constant 0 : i32
        %dma_start3A_1264 = tpu.memref_slice %arg9[%dma_start3A_1260, %dma_start3A_1261, %dma_start3A_1262, %dma_start3A_1263] : memref<2x4x32x128xf32, #tpu.memory_space<vmem>> -> memref<1x1x32x128xf32, #tpu.memory_space<vmem>>
        %dma_start3A_1265 = tpu.memref_squeeze %dma_start3A_1264 : memref<1x1x32x128xf32, #tpu.memory_space<vmem>> -> memref<32x128xf32, #tpu.memory_space<vmem>>
        %dma_start3A_1266 = arith.constant 0 : i32
        %dma_start3A_1267 = tpu.memref_slice %arg4[%dma_start3A_1266, %multiple_of3A_1259] : memref<32x1000000xf32, #tpu.memory_space<hbm>> -> memref<32x128xf32, #tpu.memory_space<hbm>>
        %dma_start3A_1268 = arith.constant 0 : i32
        %dma_start3A_1269 = arith.constant 0 : i32
        %dma_start3A_1270 = tpu.memref_slice %arg9[%dma_start3A_1260, %dma_start3A_1261, %dma_start3A_1268, %dma_start3A_1269] : memref<2x4x32x128xf32, #tpu.memory_space<vmem>> -> memref<1x1x32x128xf32, #tpu.memory_space<vmem>>
        %dma_start3A_1271 = tpu.memref_squeeze %dma_start3A_1270 : memref<1x1x32x128xf32, #tpu.memory_space<vmem>> -> memref<32x128xf32, #tpu.memory_space<vmem>>
        %dma_start3A_1272 = arith.constant 0 : i32
        %dma_start3A_1273 = tpu.memref_slice %arg4[%dma_start3A_1272, %multiple_of3A_1259] : memref<32x1000000xf32, #tpu.memory_space<hbm>> -> memref<32x128xf32, #tpu.memory_space<hbm>>
        tpu.enqueue_dma source(%dma_start3A_1273 : memref<32x128xf32, #tpu.memory_space<hbm>>) target(%dma_start3A_1271 : memref<32x128xf32, #tpu.memory_space<vmem>>) target_semaphore(%arg13 : memref<!tpu.dma_semaphore, #tpu.memory_space<semaphore_mem>>)
        %slice3A_1274 = vector.extract_strided_slice %shift_left3A_640 {offsets = [8], sizes = [1], strides = [1]} : vector<16xi32> to vector<1xi32>
        %squeeze3A_1275 = vector.extract %slice3A_1274[0] : i32 from vector<1xi32>
        %multiple_of3A_1276 = tpu.assume_multiple %squeeze3A_1275, 128 : i32
        %dma_start3A_1277 = arith.constant 0 : i32
        %dma_start3A_1278 = arith.constant 0 : i32
        %dma_start3A_1279 = arith.constant 0 : i32
        %dma_start3A_1280 = arith.constant 0 : i32
        %dma_start3A_1281 = tpu.memref_slice %arg10[%dma_start3A_1277, %dma_start3A_1278, %dma_start3A_1279, %dma_start3A_1280] : memref<2x4x32x128xf32, #tpu.memory_space<vmem>> -> memref<1x1x32x128xf32, #tpu.memory_space<vmem>>
        %dma_start3A_1282 = tpu.memref_squeeze %dma_start3A_1281 : memref<1x1x32x128xf32, #tpu.memory_space<vmem>> -> memref<32x128xf32, #tpu.memory_space<vmem>>
        %dma_start3A_1283 = arith.constant 0 : i32
        %dma_start3A_1284 = tpu.memref_slice %arg5[%dma_start3A_1283, %multiple_of3A_1276] : memref<32x1000000xf32, #tpu.memory_space<hbm>> -> memref<32x128xf32, #tpu.memory_space<hbm>>
        %dma_start3A_1285 = arith.constant 0 : i32
        %dma_start3A_1286 = arith.constant 0 : i32
        %dma_start3A_1287 = tpu.memref_slice %arg10[%dma_start3A_1277, %dma_start3A_1278, %dma_start3A_1285, %dma_start3A_1286] : memref<2x4x32x128xf32, #tpu.memory_space<vmem>> -> memref<1x1x32x128xf32, #tpu.memory_space<vmem>>
        %dma_start3A_1288 = tpu.memref_squeeze %dma_start3A_1287 : memref<1x1x32x128xf32, #tpu.memory_space<vmem>> -> memref<32x128xf32, #tpu.memory_space<vmem>>
        %dma_start3A_1289 = arith.constant 0 : i32
        %dma_start3A_1290 = tpu.memref_slice %arg5[%dma_start3A_1289, %multiple_of3A_1276] : memref<32x1000000xf32, #tpu.memory_space<hbm>> -> memref<32x128xf32, #tpu.memory_space<hbm>>
        tpu.enqueue_dma source(%dma_start3A_1290 : memref<32x128xf32, #tpu.memory_space<hbm>>) target(%dma_start3A_1288 : memref<32x128xf32, #tpu.memory_space<vmem>>) target_semaphore(%arg14 : memref<!tpu.dma_semaphore, #tpu.memory_space<semaphore_mem>>)
        %slice3A_1291 = vector.extract_strided_slice %shift_left3A_640 {offsets = [9], sizes = [1], strides = [1]} : vector<16xi32> to vector<1xi32>
        %squeeze3A_1292 = vector.extract %slice3A_1291[0] : i32 from vector<1xi32>
        %multiple_of3A_1293 = tpu.assume_multiple %squeeze3A_1292, 128 : i32
        %dma_start3A_1294 = arith.constant 0 : i32
        %dma_start3A_1295 = arith.constant 1 : i32
        %dma_start3A_1296 = arith.constant 0 : i32
        %dma_start3A_1297 = arith.constant 0 : i32
        %dma_start3A_1298 = tpu.memref_slice %arg10[%dma_start3A_1294, %dma_start3A_1295, %dma_start3A_1296, %dma_start3A_1297] : memref<2x4x32x128xf32, #tpu.memory_space<vmem>> -> memref<1x1x32x128xf32, #tpu.memory_space<vmem>>
        %dma_start3A_1299 = tpu.memref_squeeze %dma_start3A_1298 : memref<1x1x32x128xf32, #tpu.memory_space<vmem>> -> memref<32x128xf32, #tpu.memory_space<vmem>>
        %dma_start3A_1300 = arith.constant 0 : i32
        %dma_start3A_1301 = tpu.memref_slice %arg5[%dma_start3A_1300, %multiple_of3A_1293] : memref<32x1000000xf32, #tpu.memory_space<hbm>> -> memref<32x128xf32, #tpu.memory_space<hbm>>
        %dma_start3A_1302 = arith.constant 0 : i32
        %dma_start3A_1303 = arith.constant 0 : i32
        %dma_start3A_1304 = tpu.memref_slice %arg10[%dma_start3A_1294, %dma_start3A_1295, %dma_start3A_1302, %dma_start3A_1303] : memref<2x4x32x128xf32, #tpu.memory_space<vmem>> -> memref<1x1x32x128xf32, #tpu.memory_space<vmem>>
        %dma_start3A_1305 = tpu.memref_squeeze %dma_start3A_1304 : memref<1x1x32x128xf32, #tpu.memory_space<vmem>> -> memref<32x128xf32, #tpu.memory_space<vmem>>
        %dma_start3A_1306 = arith.constant 0 : i32
        %dma_start3A_1307 = tpu.memref_slice %arg5[%dma_start3A_1306, %multiple_of3A_1293] : memref<32x1000000xf32, #tpu.memory_space<hbm>> -> memref<32x128xf32, #tpu.memory_space<hbm>>
        tpu.enqueue_dma source(%dma_start3A_1307 : memref<32x128xf32, #tpu.memory_space<hbm>>) target(%dma_start3A_1305 : memref<32x128xf32, #tpu.memory_space<vmem>>) target_semaphore(%arg14 : memref<!tpu.dma_semaphore, #tpu.memory_space<semaphore_mem>>)
        %slice3A_1308 = vector.extract_strided_slice %shift_left3A_640 {offsets = [10], sizes = [1], strides = [1]} : vector<16xi32> to vector<1xi32>
        %squeeze3A_1309 = vector.extract %slice3A_1308[0] : i32 from vector<1xi32>
        %multiple_of3A_1310 = tpu.assume_multiple %squeeze3A_1309, 128 : i32
        %dma_start3A_1311 = arith.constant 0 : i32
        %dma_start3A_1312 = arith.constant 2 : i32
        %dma_start3A_1313 = arith.constant 0 : i32
        %dma_start3A_1314 = arith.constant 0 : i32
        %dma_start3A_1315 = tpu.memref_slice %arg10[%dma_start3A_1311, %dma_start3A_1312, %dma_start3A_1313, %dma_start3A_1314] : memref<2x4x32x128xf32, #tpu.memory_space<vmem>> -> memref<1x1x32x128xf32, #tpu.memory_space<vmem>>
        %dma_start3A_1316 = tpu.memref_squeeze %dma_start3A_1315 : memref<1x1x32x128xf32, #tpu.memory_space<vmem>> -> memref<32x128xf32, #tpu.memory_space<vmem>>
        %dma_start3A_1317 = arith.constant 0 : i32
        %dma_start3A_1318 = tpu.memref_slice %arg5[%dma_start3A_1317, %multiple_of3A_1310] : memref<32x1000000xf32, #tpu.memory_space<hbm>> -> memref<32x128xf32, #tpu.memory_space<hbm>>
        %dma_start3A_1319 = arith.constant 0 : i32
        %dma_start3A_1320 = arith.constant 0 : i32
        %dma_start3A_1321 = tpu.memref_slice %arg10[%dma_start3A_1311, %dma_start3A_1312, %dma_start3A_1319, %dma_start3A_1320] : memref<2x4x32x128xf32, #tpu.memory_space<vmem>> -> memref<1x1x32x128xf32, #tpu.memory_space<vmem>>
        %dma_start3A_1322 = tpu.memref_squeeze %dma_start3A_1321 : memref<1x1x32x128xf32, #tpu.memory_space<vmem>> -> memref<32x128xf32, #tpu.memory_space<vmem>>
        %dma_start3A_1323 = arith.constant 0 : i32
        %dma_start3A_1324 = tpu.memref_slice %arg5[%dma_start3A_1323, %multiple_of3A_1310] : memref<32x1000000xf32, #tpu.memory_space<hbm>> -> memref<32x128xf32, #tpu.memory_space<hbm>>
        tpu.enqueue_dma source(%dma_start3A_1324 : memref<32x128xf32, #tpu.memory_space<hbm>>) target(%dma_start3A_1322 : memref<32x128xf32, #tpu.memory_space<vmem>>) target_semaphore(%arg14 : memref<!tpu.dma_semaphore, #tpu.memory_space<semaphore_mem>>)
        %slice3A_1325 = vector.extract_strided_slice %shift_left3A_640 {offsets = [11], sizes = [1], strides = [1]} : vector<16xi32> to vector<1xi32>
        %squeeze3A_1326 = vector.extract %slice3A_1325[0] : i32 from vector<1xi32>
        %multiple_of3A_1327 = tpu.assume_multiple %squeeze3A_1326, 128 : i32
        %dma_start3A_1328 = arith.constant 0 : i32
        %dma_start3A_1329 = arith.constant 3 : i32
        %dma_start3A_1330 = arith.constant 0 : i32
        %dma_start3A_1331 = arith.constant 0 : i32
        %dma_start3A_1332 = tpu.memref_slice %arg10[%dma_start3A_1328, %dma_start3A_1329, %dma_start3A_1330, %dma_start3A_1331] : memref<2x4x32x128xf32, #tpu.memory_space<vmem>> -> memref<1x1x32x128xf32, #tpu.memory_space<vmem>>
        %dma_start3A_1333 = tpu.memref_squeeze %dma_start3A_1332 : memref<1x1x32x128xf32, #tpu.memory_space<vmem>> -> memref<32x128xf32, #tpu.memory_space<vmem>>
        %dma_start3A_1334 = arith.constant 0 : i32
        %dma_start3A_1335 = tpu.memref_slice %arg5[%dma_start3A_1334, %multiple_of3A_1327] : memref<32x1000000xf32, #tpu.memory_space<hbm>> -> memref<32x128xf32, #tpu.memory_space<hbm>>
        %dma_start3A_1336 = arith.constant 0 : i32
        %dma_start3A_1337 = arith.constant 0 : i32
        %dma_start3A_1338 = tpu.memref_slice %arg10[%dma_start3A_1328, %dma_start3A_1329, %dma_start3A_1336, %dma_start3A_1337] : memref<2x4x32x128xf32, #tpu.memory_space<vmem>> -> memref<1x1x32x128xf32, #tpu.memory_space<vmem>>
        %dma_start3A_1339 = tpu.memref_squeeze %dma_start3A_1338 : memref<1x1x32x128xf32, #tpu.memory_space<vmem>> -> memref<32x128xf32, #tpu.memory_space<vmem>>
        %dma_start3A_1340 = arith.constant 0 : i32
        %dma_start3A_1341 = tpu.memref_slice %arg5[%dma_start3A_1340, %multiple_of3A_1327] : memref<32x1000000xf32, #tpu.memory_space<hbm>> -> memref<32x128xf32, #tpu.memory_space<hbm>>
        tpu.enqueue_dma source(%dma_start3A_1341 : memref<32x128xf32, #tpu.memory_space<hbm>>) target(%dma_start3A_1339 : memref<32x128xf32, #tpu.memory_space<vmem>>) target_semaphore(%arg14 : memref<!tpu.dma_semaphore, #tpu.memory_space<semaphore_mem>>)
      } else {
      }
      %dma_wait3A_990 = arith.constant 1 : i32
      %dma_wait3A_991 = arith.constant 0 : i32
      %dma_wait3A_992 = arith.constant 0 : i32
      %dma_wait3A_993 = arith.constant 0 : i32
      %dma_wait3A_994 = tpu.memref_slice %arg9[%dma_wait3A_990, %dma_wait3A_991, %dma_wait3A_992, %dma_wait3A_993] : memref<2x4x32x128xf32, #tpu.memory_space<vmem>> -> memref<1x1x32x128xf32, #tpu.memory_space<vmem>>
      %dma_wait3A_995 = tpu.memref_squeeze %dma_wait3A_994 : memref<1x1x32x128xf32, #tpu.memory_space<vmem>> -> memref<32x128xf32, #tpu.memory_space<vmem>>
      %dma_wait3A_996 = arith.constant 0 : i32
      %dma_wait3A_997 = arith.constant 0 : i32
      %dma_wait3A_998 = tpu.memref_slice %arg4[%dma_wait3A_996, %dma_wait3A_997] : memref<32x1000000xf32, #tpu.memory_space<hbm>> -> memref<32x128xf32, #tpu.memory_space<hbm>>
      %dma_wait3A_999 = arith.constant 0 : i32
      %dma_wait3A_1000 = arith.constant 0 : i32
      %dma_wait3A_1001 = tpu.memref_slice %arg9[%dma_wait3A_990, %dma_wait3A_991, %dma_wait3A_999, %dma_wait3A_1000] : memref<2x4x32x128xf32, #tpu.memory_space<vmem>> -> memref<1x1x32x128xf32, #tpu.memory_space<vmem>>
      %dma_wait3A_1002 = tpu.memref_squeeze %dma_wait3A_1001 : memref<1x1x32x128xf32, #tpu.memory_space<vmem>> -> memref<32x128xf32, #tpu.memory_space<vmem>>
      %dma_wait3A_1003 = arith.constant 0 : i32
      %dma_wait3A_1004 = arith.constant 0 : i32
      %dma_wait3A_1005 = tpu.memref_slice %arg4[%dma_wait3A_1003, %dma_wait3A_1004] : memref<32x1000000xf32, #tpu.memory_space<hbm>> -> memref<32x128xf32, #tpu.memory_space<hbm>>
      tpu.wait_dma2 semaphore(%arg15 : memref<!tpu.dma_semaphore, #tpu.memory_space<semaphore_mem>>) src(%dma_wait3A_1005 : memref<32x128xf32, #tpu.memory_space<hbm>>) dst(%dma_wait3A_1002 : memref<32x128xf32, #tpu.memory_space<vmem>>)
      %dma_wait3A_1006 = arith.constant 1 : i32
      %dma_wait3A_1007 = arith.constant 0 : i32
      %dma_wait3A_1008 = arith.constant 0 : i32
      %dma_wait3A_1009 = arith.constant 0 : i32
      %dma_wait3A_1010 = tpu.memref_slice %arg10[%dma_wait3A_1006, %dma_wait3A_1007, %dma_wait3A_1008, %dma_wait3A_1009] : memref<2x4x32x128xf32, #tpu.memory_space<vmem>> -> memref<1x1x32x128xf32, #tpu.memory_space<vmem>>
      %dma_wait3A_1011 = tpu.memref_squeeze %dma_wait3A_1010 : memref<1x1x32x128xf32, #tpu.memory_space<vmem>> -> memref<32x128xf32, #tpu.memory_space<vmem>>
      %dma_wait3A_1012 = arith.constant 0 : i32
      %dma_wait3A_1013 = arith.constant 0 : i32
      %dma_wait3A_1014 = tpu.memref_slice %arg5[%dma_wait3A_1012, %dma_wait3A_1013] : memref<32x1000000xf32, #tpu.memory_space<hbm>> -> memref<32x128xf32, #tpu.memory_space<hbm>>
      %dma_wait3A_1015 = arith.constant 0 : i32
      %dma_wait3A_1016 = arith.constant 0 : i32
      %dma_wait3A_1017 = tpu.memref_slice %arg10[%dma_wait3A_1006, %dma_wait3A_1007, %dma_wait3A_1015, %dma_wait3A_1016] : memref<2x4x32x128xf32, #tpu.memory_space<vmem>> -> memref<1x1x32x128xf32, #tpu.memory_space<vmem>>
      %dma_wait3A_1018 = tpu.memref_squeeze %dma_wait3A_1017 : memref<1x1x32x128xf32, #tpu.memory_space<vmem>> -> memref<32x128xf32, #tpu.memory_space<vmem>>
      %dma_wait3A_1019 = arith.constant 0 : i32
      %dma_wait3A_1020 = arith.constant 0 : i32
      %dma_wait3A_1021 = tpu.memref_slice %arg5[%dma_wait3A_1019, %dma_wait3A_1020] : memref<32x1000000xf32, #tpu.memory_space<hbm>> -> memref<32x128xf32, #tpu.memory_space<hbm>>
      tpu.wait_dma2 semaphore(%arg16 : memref<!tpu.dma_semaphore, #tpu.memory_space<semaphore_mem>>) src(%dma_wait3A_1021 : memref<32x128xf32, #tpu.memory_space<hbm>>) dst(%dma_wait3A_1018 : memref<32x128xf32, #tpu.memory_space<vmem>>)
      %dma_wait3A_1022 = arith.constant 1 : i32
      %dma_wait3A_1023 = arith.constant 1 : i32
      %dma_wait3A_1024 = arith.constant 0 : i32
      %dma_wait3A_1025 = arith.constant 0 : i32
      %dma_wait3A_1026 = tpu.memref_slice %arg9[%dma_wait3A_1022, %dma_wait3A_1023, %dma_wait3A_1024, %dma_wait3A_1025] : memref<2x4x32x128xf32, #tpu.memory_space<vmem>> -> memref<1x1x32x128xf32, #tpu.memory_space<vmem>>
      %dma_wait3A_1027 = tpu.memref_squeeze %dma_wait3A_1026 : memref<1x1x32x128xf32, #tpu.memory_space<vmem>> -> memref<32x128xf32, #tpu.memory_space<vmem>>
      %dma_wait3A_1028 = arith.constant 0 : i32
      %dma_wait3A_1029 = arith.constant 0 : i32
      %dma_wait3A_1030 = tpu.memref_slice %arg4[%dma_wait3A_1028, %dma_wait3A_1029] : memref<32x1000000xf32, #tpu.memory_space<hbm>> -> memref<32x128xf32, #tpu.memory_space<hbm>>
      %dma_wait3A_1031 = arith.constant 0 : i32
      %dma_wait3A_1032 = arith.constant 0 : i32
      %dma_wait3A_1033 = tpu.memref_slice %arg9[%dma_wait3A_1022, %dma_wait3A_1023, %dma_wait3A_1031, %dma_wait3A_1032] : memref<2x4x32x128xf32, #tpu.memory_space<vmem>> -> memref<1x1x32x128xf32, #tpu.memory_space<vmem>>
      %dma_wait3A_1034 = tpu.memref_squeeze %dma_wait3A_1033 : memref<1x1x32x128xf32, #tpu.memory_space<vmem>> -> memref<32x128xf32, #tpu.memory_space<vmem>>
      %dma_wait3A_1035 = arith.constant 0 : i32
      %dma_wait3A_1036 = arith.constant 0 : i32
      %dma_wait3A_1037 = tpu.memref_slice %arg4[%dma_wait3A_1035, %dma_wait3A_1036] : memref<32x1000000xf32, #tpu.memory_space<hbm>> -> memref<32x128xf32, #tpu.memory_space<hbm>>
      tpu.wait_dma2 semaphore(%arg15 : memref<!tpu.dma_semaphore, #tpu.memory_space<semaphore_mem>>) src(%dma_wait3A_1037 : memref<32x128xf32, #tpu.memory_space<hbm>>) dst(%dma_wait3A_1034 : memref<32x128xf32, #tpu.memory_space<vmem>>)
      %dma_wait3A_1038 = arith.constant 1 : i32
      %dma_wait3A_1039 = arith.constant 1 : i32
      %dma_wait3A_1040 = arith.constant 0 : i32
      %dma_wait3A_1041 = arith.constant 0 : i32
      %dma_wait3A_1042 = tpu.memref_slice %arg10[%dma_wait3A_1038, %dma_wait3A_1039, %dma_wait3A_1040, %dma_wait3A_1041] : memref<2x4x32x128xf32, #tpu.memory_space<vmem>> -> memref<1x1x32x128xf32, #tpu.memory_space<vmem>>
      %dma_wait3A_1043 = tpu.memref_squeeze %dma_wait3A_1042 : memref<1x1x32x128xf32, #tpu.memory_space<vmem>> -> memref<32x128xf32, #tpu.memory_space<vmem>>
      %dma_wait3A_1044 = arith.constant 0 : i32
      %dma_wait3A_1045 = arith.constant 0 : i32
      %dma_wait3A_1046 = tpu.memref_slice %arg5[%dma_wait3A_1044, %dma_wait3A_1045] : memref<32x1000000xf32, #tpu.memory_space<hbm>> -> memref<32x128xf32, #tpu.memory_space<hbm>>
      %dma_wait3A_1047 = arith.constant 0 : i32
      %dma_wait3A_1048 = arith.constant 0 : i32
      %dma_wait3A_1049 = tpu.memref_slice %arg10[%dma_wait3A_1038, %dma_wait3A_1039, %dma_wait3A_1047, %dma_wait3A_1048] : memref<2x4x32x128xf32, #tpu.memory_space<vmem>> -> memref<1x1x32x128xf32, #tpu.memory_space<vmem>>
      %dma_wait3A_1050 = tpu.memref_squeeze %dma_wait3A_1049 : memref<1x1x32x128xf32, #tpu.memory_space<vmem>> -> memref<32x128xf32, #tpu.memory_space<vmem>>
      %dma_wait3A_1051 = arith.constant 0 : i32
      %dma_wait3A_1052 = arith.constant 0 : i32
      %dma_wait3A_1053 = tpu.memref_slice %arg5[%dma_wait3A_1051, %dma_wait3A_1052] : memref<32x1000000xf32, #tpu.memory_space<hbm>> -> memref<32x128xf32, #tpu.memory_space<hbm>>
      tpu.wait_dma2 semaphore(%arg16 : memref<!tpu.dma_semaphore, #tpu.memory_space<semaphore_mem>>) src(%dma_wait3A_1053 : memref<32x128xf32, #tpu.memory_space<hbm>>) dst(%dma_wait3A_1050 : memref<32x128xf32, #tpu.memory_space<vmem>>)
      %dma_wait3A_1054 = arith.constant 1 : i32
      %dma_wait3A_1055 = arith.constant 2 : i32
      %dma_wait3A_1056 = arith.constant 0 : i32
      %dma_wait3A_1057 = arith.constant 0 : i32
      %dma_wait3A_1058 = tpu.memref_slice %arg9[%dma_wait3A_1054, %dma_wait3A_1055, %dma_wait3A_1056, %dma_wait3A_1057] : memref<2x4x32x128xf32, #tpu.memory_space<vmem>> -> memref<1x1x32x128xf32, #tpu.memory_space<vmem>>
      %dma_wait3A_1059 = tpu.memref_squeeze %dma_wait3A_1058 : memref<1x1x32x128xf32, #tpu.memory_space<vmem>> -> memref<32x128xf32, #tpu.memory_space<vmem>>
      %dma_wait3A_1060 = arith.constant 0 : i32
      %dma_wait3A_1061 = arith.constant 0 : i32
      %dma_wait3A_1062 = tpu.memref_slice %arg4[%dma_wait3A_1060, %dma_wait3A_1061] : memref<32x1000000xf32, #tpu.memory_space<hbm>> -> memref<32x128xf32, #tpu.memory_space<hbm>>
      %dma_wait3A_1063 = arith.constant 0 : i32
      %dma_wait3A_1064 = arith.constant 0 : i32
      %dma_wait3A_1065 = tpu.memref_slice %arg9[%dma_wait3A_1054, %dma_wait3A_1055, %dma_wait3A_1063, %dma_wait3A_1064] : memref<2x4x32x128xf32, #tpu.memory_space<vmem>> -> memref<1x1x32x128xf32, #tpu.memory_space<vmem>>
      %dma_wait3A_1066 = tpu.memref_squeeze %dma_wait3A_1065 : memref<1x1x32x128xf32, #tpu.memory_space<vmem>> -> memref<32x128xf32, #tpu.memory_space<vmem>>
      %dma_wait3A_1067 = arith.constant 0 : i32
      %dma_wait3A_1068 = arith.constant 0 : i32
      %dma_wait3A_1069 = tpu.memref_slice %arg4[%dma_wait3A_1067, %dma_wait3A_1068] : memref<32x1000000xf32, #tpu.memory_space<hbm>> -> memref<32x128xf32, #tpu.memory_space<hbm>>
      tpu.wait_dma2 semaphore(%arg15 : memref<!tpu.dma_semaphore, #tpu.memory_space<semaphore_mem>>) src(%dma_wait3A_1069 : memref<32x128xf32, #tpu.memory_space<hbm>>) dst(%dma_wait3A_1066 : memref<32x128xf32, #tpu.memory_space<vmem>>)
      %dma_wait3A_1070 = arith.constant 1 : i32
      %dma_wait3A_1071 = arith.constant 2 : i32
      %dma_wait3A_1072 = arith.constant 0 : i32
      %dma_wait3A_1073 = arith.constant 0 : i32
      %dma_wait3A_1074 = tpu.memref_slice %arg10[%dma_wait3A_1070, %dma_wait3A_1071, %dma_wait3A_1072, %dma_wait3A_1073] : memref<2x4x32x128xf32, #tpu.memory_space<vmem>> -> memref<1x1x32x128xf32, #tpu.memory_space<vmem>>
      %dma_wait3A_1075 = tpu.memref_squeeze %dma_wait3A_1074 : memref<1x1x32x128xf32, #tpu.memory_space<vmem>> -> memref<32x128xf32, #tpu.memory_space<vmem>>
      %dma_wait3A_1076 = arith.constant 0 : i32
      %dma_wait3A_1077 = arith.constant 0 : i32
      %dma_wait3A_1078 = tpu.memref_slice %arg5[%dma_wait3A_1076, %dma_wait3A_1077] : memref<32x1000000xf32, #tpu.memory_space<hbm>> -> memref<32x128xf32, #tpu.memory_space<hbm>>
      %dma_wait3A_1079 = arith.constant 0 : i32
      %dma_wait3A_1080 = arith.constant 0 : i32
      %dma_wait3A_1081 = tpu.memref_slice %arg10[%dma_wait3A_1070, %dma_wait3A_1071, %dma_wait3A_1079, %dma_wait3A_1080] : memref<2x4x32x128xf32, #tpu.memory_space<vmem>> -> memref<1x1x32x128xf32, #tpu.memory_space<vmem>>
      %dma_wait3A_1082 = tpu.memref_squeeze %dma_wait3A_1081 : memref<1x1x32x128xf32, #tpu.memory_space<vmem>> -> memref<32x128xf32, #tpu.memory_space<vmem>>
      %dma_wait3A_1083 = arith.constant 0 : i32
      %dma_wait3A_1084 = arith.constant 0 : i32
      %dma_wait3A_1085 = tpu.memref_slice %arg5[%dma_wait3A_1083, %dma_wait3A_1084] : memref<32x1000000xf32, #tpu.memory_space<hbm>> -> memref<32x128xf32, #tpu.memory_space<hbm>>
      tpu.wait_dma2 semaphore(%arg16 : memref<!tpu.dma_semaphore, #tpu.memory_space<semaphore_mem>>) src(%dma_wait3A_1085 : memref<32x128xf32, #tpu.memory_space<hbm>>) dst(%dma_wait3A_1082 : memref<32x128xf32, #tpu.memory_space<vmem>>)
      %dma_wait3A_1086 = arith.constant 1 : i32
      %dma_wait3A_1087 = arith.constant 3 : i32
      %dma_wait3A_1088 = arith.constant 0 : i32
      %dma_wait3A_1089 = arith.constant 0 : i32
      %dma_wait3A_1090 = tpu.memref_slice %arg9[%dma_wait3A_1086, %dma_wait3A_1087, %dma_wait3A_1088, %dma_wait3A_1089] : memref<2x4x32x128xf32, #tpu.memory_space<vmem>> -> memref<1x1x32x128xf32, #tpu.memory_space<vmem>>
      %dma_wait3A_1091 = tpu.memref_squeeze %dma_wait3A_1090 : memref<1x1x32x128xf32, #tpu.memory_space<vmem>> -> memref<32x128xf32, #tpu.memory_space<vmem>>
      %dma_wait3A_1092 = arith.constant 0 : i32
      %dma_wait3A_1093 = arith.constant 0 : i32
      %dma_wait3A_1094 = tpu.memref_slice %arg4[%dma_wait3A_1092, %dma_wait3A_1093] : memref<32x1000000xf32, #tpu.memory_space<hbm>> -> memref<32x128xf32, #tpu.memory_space<hbm>>
      %dma_wait3A_1095 = arith.constant 0 : i32
      %dma_wait3A_1096 = arith.constant 0 : i32
      %dma_wait3A_1097 = tpu.memref_slice %arg9[%dma_wait3A_1086, %dma_wait3A_1087, %dma_wait3A_1095, %dma_wait3A_1096] : memref<2x4x32x128xf32, #tpu.memory_space<vmem>> -> memref<1x1x32x128xf32, #tpu.memory_space<vmem>>
      %dma_wait3A_1098 = tpu.memref_squeeze %dma_wait3A_1097 : memref<1x1x32x128xf32, #tpu.memory_space<vmem>> -> memref<32x128xf32, #tpu.memory_space<vmem>>
      %dma_wait3A_1099 = arith.constant 0 : i32
      %dma_wait3A_1100 = arith.constant 0 : i32
      %dma_wait3A_1101 = tpu.memref_slice %arg4[%dma_wait3A_1099, %dma_wait3A_1100] : memref<32x1000000xf32, #tpu.memory_space<hbm>> -> memref<32x128xf32, #tpu.memory_space<hbm>>
      tpu.wait_dma2 semaphore(%arg15 : memref<!tpu.dma_semaphore, #tpu.memory_space<semaphore_mem>>) src(%dma_wait3A_1101 : memref<32x128xf32, #tpu.memory_space<hbm>>) dst(%dma_wait3A_1098 : memref<32x128xf32, #tpu.memory_space<vmem>>)
      %dma_wait3A_1102 = arith.constant 1 : i32
      %dma_wait3A_1103 = arith.constant 3 : i32
      %dma_wait3A_1104 = arith.constant 0 : i32
      %dma_wait3A_1105 = arith.constant 0 : i32
      %dma_wait3A_1106 = tpu.memref_slice %arg10[%dma_wait3A_1102, %dma_wait3A_1103, %dma_wait3A_1104, %dma_wait3A_1105] : memref<2x4x32x128xf32, #tpu.memory_space<vmem>> -> memref<1x1x32x128xf32, #tpu.memory_space<vmem>>
      %dma_wait3A_1107 = tpu.memref_squeeze %dma_wait3A_1106 : memref<1x1x32x128xf32, #tpu.memory_space<vmem>> -> memref<32x128xf32, #tpu.memory_space<vmem>>
      %dma_wait3A_1108 = arith.constant 0 : i32
      %dma_wait3A_1109 = arith.constant 0 : i32
      %dma_wait3A_1110 = tpu.memref_slice %arg5[%dma_wait3A_1108, %dma_wait3A_1109] : memref<32x1000000xf32, #tpu.memory_space<hbm>> -> memref<32x128xf32, #tpu.memory_space<hbm>>
      %dma_wait3A_1111 = arith.constant 0 : i32
      %dma_wait3A_1112 = arith.constant 0 : i32
      %dma_wait3A_1113 = tpu.memref_slice %arg10[%dma_wait3A_1102, %dma_wait3A_1103, %dma_wait3A_1111, %dma_wait3A_1112] : memref<2x4x32x128xf32, #tpu.memory_space<vmem>> -> memref<1x1x32x128xf32, #tpu.memory_space<vmem>>
      %dma_wait3A_1114 = tpu.memref_squeeze %dma_wait3A_1113 : memref<1x1x32x128xf32, #tpu.memory_space<vmem>> -> memref<32x128xf32, #tpu.memory_space<vmem>>
      %dma_wait3A_1115 = arith.constant 0 : i32
      %dma_wait3A_1116 = arith.constant 0 : i32
      %dma_wait3A_1117 = tpu.memref_slice %arg5[%dma_wait3A_1115, %dma_wait3A_1116] : memref<32x1000000xf32, #tpu.memory_space<hbm>> -> memref<32x128xf32, #tpu.memory_space<hbm>>
      tpu.wait_dma2 semaphore(%arg16 : memref<!tpu.dma_semaphore, #tpu.memory_space<semaphore_mem>>) src(%dma_wait3A_1117 : memref<32x128xf32, #tpu.memory_space<hbm>>) dst(%dma_wait3A_1114 : memref<32x128xf32, #tpu.memory_space<vmem>>)
      %add3A_1118 = arith.constant 4 : i32
      %add3A_1119 = arith.addi %mul3A_624, %add3A_1118 : i32
      %broadcast_in_dim3A_1120 = vector.broadcast %add3A_1119 : i32 to vector<16xi32>
      %add3A_1121 = arith.addi %broadcast_in_dim3A_1120, %select_n3A : vector<16xi32>
      %gather3A_1122 = tpu.vector_load_idx %arg7[%add3A_1121] : memref<528xi32, #tpu.memory_space<vmem>>[vector<16xi32>], vector<16xi32>,
      %and3A_1123 = arith.constant 127 : i32
      %and3A_1124 = vector.broadcast %and3A_1123 : i32 to vector<16xi32>
      %and3A_1125 = arith.andi %gather3A_1122, %and3A_1124 : vector<16xi32>
      %gather3A_1126 = tpu.vector_load_idx %arg8[%add3A_1121] : memref<528xi32, #tpu.memory_space<vmem>>[vector<16xi32>], vector<16xi32>,
      %and3A_1127 = arith.constant 127 : i32
      %and3A_1128 = vector.broadcast %and3A_1127 : i32 to vector<16xi32>
      %and3A_1129 = arith.andi %gather3A_1126, %and3A_1128 : vector<16xi32>
      %broadcast_in_dim3A_1130 = arith.constant 1 : i32
      %broadcast_in_dim3A_1131 = vector.broadcast %broadcast_in_dim3A_1130 : i32 to vector<16xi32>
      %broadcast_in_dim3A_1132 = arith.constant 0.000000e+00 : f32
      %broadcast_in_dim3A_1133 = vector.broadcast %broadcast_in_dim3A_1132 : f32 to vector<16xf32>
      %add3A_1134 = arith.constant 0 : i32
      %add3A_1135 = vector.broadcast %add3A_1134 : i32 to vector<16xi32>
      %add3A_1136 = arith.addi %shift_left3A_15, %add3A_1135 : vector<16xi32>
      %gather3A_1137 = tpu.vector_load_idx %arg9[%broadcast_in_dim3A_1131, %select_n3A, %add3A_1136, %and3A_1125] : memref<2x4x32x128xf32, #tpu.memory_space<vmem>>[vector<16xi32>, vector<16xi32>, vector<16xi32>, vector<16xi32>], vector<16xf32>,
      %gather3A_1138 = tpu.vector_load_idx %arg10[%broadcast_in_dim3A_1131, %select_n3A, %add3A_1136, %and3A_1129] : memref<2x4x32x128xf32, #tpu.memory_space<vmem>>[vector<16xi32>, vector<16xi32>, vector<16xi32>, vector<16xi32>], vector<16xf32>,
      %mul3A_1139 = arith.mulf %gather3A_1137, %gather3A_1138 : vector<16xf32>
      %add3A_1140 = arith.addf %broadcast_in_dim3A_1133, %mul3A_1139 : vector<16xf32>
      %add3A_1141 = arith.constant 1 : i32
      %add3A_1142 = vector.broadcast %add3A_1141 : i32 to vector<16xi32>
      %add3A_1143 = arith.addi %shift_left3A_15, %add3A_1142 : vector<16xi32>
      %gather3A_1144 = tpu.vector_load_idx %arg9[%broadcast_in_dim3A_1131, %select_n3A, %add3A_1143, %and3A_1125] : memref<2x4x32x128xf32, #tpu.memory_space<vmem>>[vector<16xi32>, vector<16xi32>, vector<16xi32>, vector<16xi32>], vector<16xf32>,
      %gather3A_1145 = tpu.vector_load_idx %arg10[%broadcast_in_dim3A_1131, %select_n3A, %add3A_1143, %and3A_1129] : memref<2x4x32x128xf32, #tpu.memory_space<vmem>>[vector<16xi32>, vector<16xi32>, vector<16xi32>, vector<16xi32>], vector<16xf32>,
      %mul3A_1146 = arith.mulf %gather3A_1144, %gather3A_1145 : vector<16xf32>
      %add3A_1147 = arith.addf %add3A_1140, %mul3A_1146 : vector<16xf32>
      %add3A_1148 = arith.constant 2 : i32
      %add3A_1149 = vector.broadcast %add3A_1148 : i32 to vector<16xi32>
      %add3A_1150 = arith.addi %shift_left3A_15, %add3A_1149 : vector<16xi32>
      %gather3A_1151 = tpu.vector_load_idx %arg9[%broadcast_in_dim3A_1131, %select_n3A, %add3A_1150, %and3A_1125] : memref<2x4x32x128xf32, #tpu.memory_space<vmem>>[vector<16xi32>, vector<16xi32>, vector<16xi32>, vector<16xi32>], vector<16xf32>,
      %gather3A_1152 = tpu.vector_load_idx %arg10[%broadcast_in_dim3A_1131, %select_n3A, %add3A_1150, %and3A_1129] : memref<2x4x32x128xf32, #tpu.memory_space<vmem>>[vector<16xi32>, vector<16xi32>, vector<16xi32>, vector<16xi32>], vector<16xf32>,
      %mul3A_1153 = arith.mulf %gather3A_1151, %gather3A_1152 : vector<16xf32>
      %add3A_1154 = arith.addf %add3A_1147, %mul3A_1153 : vector<16xf32>
      %add3A_1155 = arith.constant 3 : i32
      %add3A_1156 = vector.broadcast %add3A_1155 : i32 to vector<16xi32>
      %add3A_1157 = arith.addi %shift_left3A_15, %add3A_1156 : vector<16xi32>
      %gather3A_1158 = tpu.vector_load_idx %arg9[%broadcast_in_dim3A_1131, %select_n3A, %add3A_1157, %and3A_1125] : memref<2x4x32x128xf32, #tpu.memory_space<vmem>>[vector<16xi32>, vector<16xi32>, vector<16xi32>, vector<16xi32>], vector<16xf32>,
      %gather3A_1159 = tpu.vector_load_idx %arg10[%broadcast_in_dim3A_1131, %select_n3A, %add3A_1157, %and3A_1129] : memref<2x4x32x128xf32, #tpu.memory_space<vmem>>[vector<16xi32>, vector<16xi32>, vector<16xi32>, vector<16xi32>], vector<16xf32>,
      %mul3A_1160 = arith.mulf %gather3A_1158, %gather3A_1159 : vector<16xf32>
      %add3A_1161 = arith.addf %add3A_1154, %mul3A_1160 : vector<16xf32>
      %add3A_1162 = arith.constant 4 : i32
      %add3A_1163 = vector.broadcast %add3A_1162 : i32 to vector<16xi32>
      %add3A_1164 = arith.addi %shift_left3A_15, %add3A_1163 : vector<16xi32>
      %gather3A_1165 = tpu.vector_load_idx %arg9[%broadcast_in_dim3A_1131, %select_n3A, %add3A_1164, %and3A_1125] : memref<2x4x32x128xf32, #tpu.memory_space<vmem>>[vector<16xi32>, vector<16xi32>, vector<16xi32>, vector<16xi32>], vector<16xf32>,
      %gather3A_1166 = tpu.vector_load_idx %arg10[%broadcast_in_dim3A_1131, %select_n3A, %add3A_1164, %and3A_1129] : memref<2x4x32x128xf32, #tpu.memory_space<vmem>>[vector<16xi32>, vector<16xi32>, vector<16xi32>, vector<16xi32>], vector<16xf32>,
      %mul3A_1167 = arith.mulf %gather3A_1165, %gather3A_1166 : vector<16xf32>
      %add3A_1168 = arith.addf %add3A_1161, %mul3A_1167 : vector<16xf32>
      %add3A_1169 = arith.constant 5 : i32
      %add3A_1170 = vector.broadcast %add3A_1169 : i32 to vector<16xi32>
      %add3A_1171 = arith.addi %shift_left3A_15, %add3A_1170 : vector<16xi32>
      %gather3A_1172 = tpu.vector_load_idx %arg9[%broadcast_in_dim3A_1131, %select_n3A, %add3A_1171, %and3A_1125] : memref<2x4x32x128xf32, #tpu.memory_space<vmem>>[vector<16xi32>, vector<16xi32>, vector<16xi32>, vector<16xi32>], vector<16xf32>,
      %gather3A_1173 = tpu.vector_load_idx %arg10[%broadcast_in_dim3A_1131, %select_n3A, %add3A_1171, %and3A_1129] : memref<2x4x32x128xf32, #tpu.memory_space<vmem>>[vector<16xi32>, vector<16xi32>, vector<16xi32>, vector<16xi32>], vector<16xf32>,
      %mul3A_1174 = arith.mulf %gather3A_1172, %gather3A_1173 : vector<16xf32>
      %add3A_1175 = arith.addf %add3A_1168, %mul3A_1174 : vector<16xf32>
      %add3A_1176 = arith.constant 6 : i32
      %add3A_1177 = vector.broadcast %add3A_1176 : i32 to vector<16xi32>
      %add3A_1178 = arith.addi %shift_left3A_15, %add3A_1177 : vector<16xi32>
      %gather3A_1179 = tpu.vector_load_idx %arg9[%broadcast_in_dim3A_1131, %select_n3A, %add3A_1178, %and3A_1125] : memref<2x4x32x128xf32, #tpu.memory_space<vmem>>[vector<16xi32>, vector<16xi32>, vector<16xi32>, vector<16xi32>], vector<16xf32>,
      %gather3A_1180 = tpu.vector_load_idx %arg10[%broadcast_in_dim3A_1131, %select_n3A, %add3A_1178, %and3A_1129] : memref<2x4x32x128xf32, #tpu.memory_space<vmem>>[vector<16xi32>, vector<16xi32>, vector<16xi32>, vector<16xi32>], vector<16xf32>,
      %mul3A_1181 = arith.mulf %gather3A_1179, %gather3A_1180 : vector<16xf32>
      %add3A_1182 = arith.addf %add3A_1175, %mul3A_1181 : vector<16xf32>
      %add3A_1183 = arith.constant 7 : i32
      %add3A_1184 = vector.broadcast %add3A_1183 : i32 to vector<16xi32>
      %add3A_1185 = arith.addi %shift_left3A_15, %add3A_1184 : vector<16xi32>
      %gather3A_1186 = tpu.vector_load_idx %arg9[%broadcast_in_dim3A_1131, %select_n3A, %add3A_1185, %and3A_1125] : memref<2x4x32x128xf32, #tpu.memory_space<vmem>>[vector<16xi32>, vector<16xi32>, vector<16xi32>, vector<16xi32>], vector<16xf32>,
      %gather3A_1187 = tpu.vector_load_idx %arg10[%broadcast_in_dim3A_1131, %select_n3A, %add3A_1185, %and3A_1129] : memref<2x4x32x128xf32, #tpu.memory_space<vmem>>[vector<16xi32>, vector<16xi32>, vector<16xi32>, vector<16xi32>], vector<16xf32>,
      %mul3A_1188 = arith.mulf %gather3A_1186, %gather3A_1187 : vector<16xf32>
      %add3A_1189 = arith.addf %add3A_1182, %mul3A_1188 : vector<16xf32>
      %rev3A_1190 = arith.constant 15 : i32
      %rev3A_1191 = vector.broadcast %rev3A_1190 : i32 to vector<16xi32>
      %rev3A_1192 = tpu.iota {dimensions = array<i32: 0>} : vector<16xi32>
      %rev3A_1193 = arith.subi %rev3A_1191, %rev3A_1192 : vector<16xi32>
      %rev3A_1194 = tpu.dynamic_gather %add3A_1189[%rev3A_1193] in [0] : vector<16xf32>, vector<16xi32> -> vector<16xf32>
      %add3A_1195 = arith.addf %add3A_1189, %rev3A_1194 : vector<16xf32>
      %swap3A_1196 = arith.constant 0 : index
      %swap3A_1197 = tpu.vector_load %arg11[%swap3A_1196] {strides = array<i32>} : memref<16xf32, #tpu.memory_space<vmem>>, vector<16xf32>,
      tpu.vector_store %arg11[%swap3A_1196], %add3A_1195 {strides = array<i32>} : memref<16xf32, #tpu.memory_space<vmem>>, vector<16xf32>,
      %xor3A_1198 = arith.constant 4 : i32
      %xor3A_1199 = vector.broadcast %xor3A_1198 : i32 to vector<16xi32>
      %xor3A_1200 = arith.xori %iota3A, %xor3A_1199 : vector<16xi32>
      %gather3A_1201 = tpu.vector_load_idx %arg11[%xor3A_1200] : memref<16xf32, #tpu.memory_space<vmem>>[vector<16xi32>], vector<16xf32>,
      %add3A_1202 = arith.addf %add3A_1195, %gather3A_1201 : vector<16xf32>
      %broadcast_in_dim3A_1203 = vector.broadcast %add3A_1119 : i32 to vector<16xi32>
      %add3A_1204 = arith.addi %broadcast_in_dim3A_1203, %and3A_21 : vector<16xi32>
      tpu.vector_store_idx %arg12[%add3A_1204], %add3A_1202 masked %lt3A_18 : memref<512xf32, #tpu.memory_space<vmem>>[vector<16xi32>], vector<16xf32>, vector<16xi1>
      %scan3A_1205 = arith.constant 0 : i32
      scf.yield %scan3A_1205 : i32
    }
    %scan3A_174 = arith.constant 64 : i32
    %get3A_175 = arith.constant 0 : index
    %get3A_176 = tpu.vector_load %arg12[%get3A_175] {strides = array<i32>} : memref<512xf32, #tpu.memory_space<vmem>>, vector<16xf32>,
    %neg3A = arith.constant 0.000000e+00 : f32
    %neg3A_177 = vector.broadcast %neg3A : f32 to vector<16xf32>
    %neg3A_178 = arith.subf %neg3A_177, %get3A_176 : vector<16xf32>
    %exp3A = math.exp %neg3A_178 : vector<16xf32>
    %add3A_179 = arith.constant 1.000000e+00 : f32
    %add3A_180 = vector.broadcast %add3A_179 : f32 to vector<16xf32>
    %add3A_181 = arith.addf %add3A_180, %exp3A : vector<16xf32>
    %div3A = arith.constant 1.000000e+00 : f32
    %div3A_182 = vector.broadcast %div3A : f32 to vector<16xf32>
    %div3A_183 = arith.divf %div3A_182, %add3A_181 : vector<16xf32>
    %swap3A = arith.constant 0 : index
    %swap3A_184 = tpu.vector_load %arg12[%swap3A] {strides = array<i32>} : memref<512xf32, #tpu.memory_space<vmem>>, vector<16xf32>,
    tpu.vector_store %arg12[%swap3A], %div3A_183 {strides = array<i32>} : memref<512xf32, #tpu.memory_space<vmem>>, vector<16xf32>,
    %get3A_185 = arith.constant 16 : index
    %get3A_186 = tpu.vector_load %arg12[%get3A_185] {strides = array<i32>} : memref<512xf32, #tpu.memory_space<vmem>>, vector<16xf32>,
    %neg3A_187 = arith.constant 0.000000e+00 : f32
    %neg3A_188 = vector.broadcast %neg3A_187 : f32 to vector<16xf32>
    %neg3A_189 = arith.subf %neg3A_188, %get3A_186 : vector<16xf32>
    %exp3A_190 = math.exp %neg3A_189 : vector<16xf32>
    %add3A_191 = arith.constant 1.000000e+00 : f32
    %add3A_192 = vector.broadcast %add3A_191 : f32 to vector<16xf32>
    %add3A_193 = arith.addf %add3A_192, %exp3A_190 : vector<16xf32>
    %div3A_194 = arith.constant 1.000000e+00 : f32
    %div3A_195 = vector.broadcast %div3A_194 : f32 to vector<16xf32>
    %div3A_196 = arith.divf %div3A_195, %add3A_193 : vector<16xf32>
    %swap3A_197 = arith.constant 16 : index
    %swap3A_198 = tpu.vector_load %arg12[%swap3A_197] {strides = array<i32>} : memref<512xf32, #tpu.memory_space<vmem>>, vector<16xf32>,
    tpu.vector_store %arg12[%swap3A_197], %div3A_196 {strides = array<i32>} : memref<512xf32, #tpu.memory_space<vmem>>, vector<16xf32>,
    %get3A_199 = arith.constant 32 : index
    %get3A_200 = tpu.vector_load %arg12[%get3A_199] {strides = array<i32>} : memref<512xf32, #tpu.memory_space<vmem>>, vector<16xf32>,
    %neg3A_201 = arith.constant 0.000000e+00 : f32
    %neg3A_202 = vector.broadcast %neg3A_201 : f32 to vector<16xf32>
    %neg3A_203 = arith.subf %neg3A_202, %get3A_200 : vector<16xf32>
    %exp3A_204 = math.exp %neg3A_203 : vector<16xf32>
    %add3A_205 = arith.constant 1.000000e+00 : f32
    %add3A_206 = vector.broadcast %add3A_205 : f32 to vector<16xf32>
    %add3A_207 = arith.addf %add3A_206, %exp3A_204 : vector<16xf32>
    %div3A_208 = arith.constant 1.000000e+00 : f32
    %div3A_209 = vector.broadcast %div3A_208 : f32 to vector<16xf32>
    %div3A_210 = arith.divf %div3A_209, %add3A_207 : vector<16xf32>
    %swap3A_211 = arith.constant 32 : index
    %swap3A_212 = tpu.vector_load %arg12[%swap3A_211] {strides = array<i32>} : memref<512xf32, #tpu.memory_space<vmem>>, vector<16xf32>,
    tpu.vector_store %arg12[%swap3A_211], %div3A_210 {strides = array<i32>} : memref<512xf32, #tpu.memory_space<vmem>>, vector<16xf32>,
    %get3A_213 = arith.constant 48 : index
    %get3A_214 = tpu.vector_load %arg12[%get3A_213] {strides = array<i32>} : memref<512xf32, #tpu.memory_space<vmem>>, vector<16xf32>,
    %neg3A_215 = arith.constant 0.000000e+00 : f32
    %neg3A_216 = vector.broadcast %neg3A_215 : f32 to vector<16xf32>
    %neg3A_217 = arith.subf %neg3A_216, %get3A_214 : vector<16xf32>
    %exp3A_218 = math.exp %neg3A_217 : vector<16xf32>
    %add3A_219 = arith.constant 1.000000e+00 : f32
    %add3A_220 = vector.broadcast %add3A_219 : f32 to vector<16xf32>
    %add3A_221 = arith.addf %add3A_220, %exp3A_218 : vector<16xf32>
    %div3A_222 = arith.constant 1.000000e+00 : f32
    %div3A_223 = vector.broadcast %div3A_222 : f32 to vector<16xf32>
    %div3A_224 = arith.divf %div3A_223, %add3A_221 : vector<16xf32>
    %swap3A_225 = arith.constant 48 : index
    %swap3A_226 = tpu.vector_load %arg12[%swap3A_225] {strides = array<i32>} : memref<512xf32, #tpu.memory_space<vmem>>, vector<16xf32>,
    tpu.vector_store %arg12[%swap3A_225], %div3A_224 {strides = array<i32>} : memref<512xf32, #tpu.memory_space<vmem>>, vector<16xf32>,
    %get3A_227 = arith.constant 64 : index
    %get3A_228 = tpu.vector_load %arg12[%get3A_227] {strides = array<i32>} : memref<512xf32, #tpu.memory_space<vmem>>, vector<16xf32>,
    %neg3A_229 = arith.constant 0.000000e+00 : f32
    %neg3A_230 = vector.broadcast %neg3A_229 : f32 to vector<16xf32>
    %neg3A_231 = arith.subf %neg3A_230, %get3A_228 : vector<16xf32>
    %exp3A_232 = math.exp %neg3A_231 : vector<16xf32>
    %add3A_233 = arith.constant 1.000000e+00 : f32
    %add3A_234 = vector.broadcast %add3A_233 : f32 to vector<16xf32>
    %add3A_235 = arith.addf %add3A_234, %exp3A_232 : vector<16xf32>
    %div3A_236 = arith.constant 1.000000e+00 : f32
    %div3A_237 = vector.broadcast %div3A_236 : f32 to vector<16xf32>
    %div3A_238 = arith.divf %div3A_237, %add3A_235 : vector<16xf32>
    %swap3A_239 = arith.constant 64 : index
    %swap3A_240 = tpu.vector_load %arg12[%swap3A_239] {strides = array<i32>} : memref<512xf32, #tpu.memory_space<vmem>>, vector<16xf32>,
    tpu.vector_store %arg12[%swap3A_239], %div3A_238 {strides = array<i32>} : memref<512xf32, #tpu.memory_space<vmem>>, vector<16xf32>,
    %get3A_241 = arith.constant 80 : index
    %get3A_242 = tpu.vector_load %arg12[%get3A_241] {strides = array<i32>} : memref<512xf32, #tpu.memory_space<vmem>>, vector<16xf32>,
    %neg3A_243 = arith.constant 0.000000e+00 : f32
    %neg3A_244 = vector.broadcast %neg3A_243 : f32 to vector<16xf32>
    %neg3A_245 = arith.subf %neg3A_244, %get3A_242 : vector<16xf32>
    %exp3A_246 = math.exp %neg3A_245 : vector<16xf32>
    %add3A_247 = arith.constant 1.000000e+00 : f32
    %add3A_248 = vector.broadcast %add3A_247 : f32 to vector<16xf32>
    %add3A_249 = arith.addf %add3A_248, %exp3A_246 : vector<16xf32>
    %div3A_250 = arith.constant 1.000000e+00 : f32
    %div3A_251 = vector.broadcast %div3A_250 : f32 to vector<16xf32>
    %div3A_252 = arith.divf %div3A_251, %add3A_249 : vector<16xf32>
    %swap3A_253 = arith.constant 80 : index
    %swap3A_254 = tpu.vector_load %arg12[%swap3A_253] {strides = array<i32>} : memref<512xf32, #tpu.memory_space<vmem>>, vector<16xf32>,
    tpu.vector_store %arg12[%swap3A_253], %div3A_252 {strides = array<i32>} : memref<512xf32, #tpu.memory_space<vmem>>, vector<16xf32>,
    %get3A_255 = arith.constant 96 : index
    %get3A_256 = tpu.vector_load %arg12[%get3A_255] {strides = array<i32>} : memref<512xf32, #tpu.memory_space<vmem>>, vector<16xf32>,
    %neg3A_257 = arith.constant 0.000000e+00 : f32
    %neg3A_258 = vector.broadcast %neg3A_257 : f32 to vector<16xf32>
    %neg3A_259 = arith.subf %neg3A_258, %get3A_256 : vector<16xf32>
    %exp3A_260 = math.exp %neg3A_259 : vector<16xf32>
    %add3A_261 = arith.constant 1.000000e+00 : f32
    %add3A_262 = vector.broadcast %add3A_261 : f32 to vector<16xf32>
    %add3A_263 = arith.addf %add3A_262, %exp3A_260 : vector<16xf32>
    %div3A_264 = arith.constant 1.000000e+00 : f32
    %div3A_265 = vector.broadcast %div3A_264 : f32 to vector<16xf32>
    %div3A_266 = arith.divf %div3A_265, %add3A_263 : vector<16xf32>
    %swap3A_267 = arith.constant 96 : index
    %swap3A_268 = tpu.vector_load %arg12[%swap3A_267] {strides = array<i32>} : memref<512xf32, #tpu.memory_space<vmem>>, vector<16xf32>,
    tpu.vector_store %arg12[%swap3A_267], %div3A_266 {strides = array<i32>} : memref<512xf32, #tpu.memory_space<vmem>>, vector<16xf32>,
    %get3A_269 = arith.constant 112 : index
    %get3A_270 = tpu.vector_load %arg12[%get3A_269] {strides = array<i32>} : memref<512xf32, #tpu.memory_space<vmem>>, vector<16xf32>,
    %neg3A_271 = arith.constant 0.000000e+00 : f32
    %neg3A_272 = vector.broadcast %neg3A_271 : f32 to vector<16xf32>
    %neg3A_273 = arith.subf %neg3A_272, %get3A_270 : vector<16xf32>
    %exp3A_274 = math.exp %neg3A_273 : vector<16xf32>
    %add3A_275 = arith.constant 1.000000e+00 : f32
    %add3A_276 = vector.broadcast %add3A_275 : f32 to vector<16xf32>
    %add3A_277 = arith.addf %add3A_276, %exp3A_274 : vector<16xf32>
    %div3A_278 = arith.constant 1.000000e+00 : f32
    %div3A_279 = vector.broadcast %div3A_278 : f32 to vector<16xf32>
    %div3A_280 = arith.divf %div3A_279, %add3A_277 : vector<16xf32>
    %swap3A_281 = arith.constant 112 : index
    %swap3A_282 = tpu.vector_load %arg12[%swap3A_281] {strides = array<i32>} : memref<512xf32, #tpu.memory_space<vmem>>, vector<16xf32>,
    tpu.vector_store %arg12[%swap3A_281], %div3A_280 {strides = array<i32>} : memref<512xf32, #tpu.memory_space<vmem>>, vector<16xf32>,
    %get3A_283 = arith.constant 128 : index
    %get3A_284 = tpu.vector_load %arg12[%get3A_283] {strides = array<i32>} : memref<512xf32, #tpu.memory_space<vmem>>, vector<16xf32>,
    %neg3A_285 = arith.constant 0.000000e+00 : f32
    %neg3A_286 = vector.broadcast %neg3A_285 : f32 to vector<16xf32>
    %neg3A_287 = arith.subf %neg3A_286, %get3A_284 : vector<16xf32>
    %exp3A_288 = math.exp %neg3A_287 : vector<16xf32>
    %add3A_289 = arith.constant 1.000000e+00 : f32
    %add3A_290 = vector.broadcast %add3A_289 : f32 to vector<16xf32>
    %add3A_291 = arith.addf %add3A_290, %exp3A_288 : vector<16xf32>
    %div3A_292 = arith.constant 1.000000e+00 : f32
    %div3A_293 = vector.broadcast %div3A_292 : f32 to vector<16xf32>
    %div3A_294 = arith.divf %div3A_293, %add3A_291 : vector<16xf32>
    %swap3A_295 = arith.constant 128 : index
    %swap3A_296 = tpu.vector_load %arg12[%swap3A_295] {strides = array<i32>} : memref<512xf32, #tpu.memory_space<vmem>>, vector<16xf32>,
    tpu.vector_store %arg12[%swap3A_295], %div3A_294 {strides = array<i32>} : memref<512xf32, #tpu.memory_space<vmem>>, vector<16xf32>,
    %get3A_297 = arith.constant 144 : index
    %get3A_298 = tpu.vector_load %arg12[%get3A_297] {strides = array<i32>} : memref<512xf32, #tpu.memory_space<vmem>>, vector<16xf32>,
    %neg3A_299 = arith.constant 0.000000e+00 : f32
    %neg3A_300 = vector.broadcast %neg3A_299 : f32 to vector<16xf32>
    %neg3A_301 = arith.subf %neg3A_300, %get3A_298 : vector<16xf32>
    %exp3A_302 = math.exp %neg3A_301 : vector<16xf32>
    %add3A_303 = arith.constant 1.000000e+00 : f32
    %add3A_304 = vector.broadcast %add3A_303 : f32 to vector<16xf32>
    %add3A_305 = arith.addf %add3A_304, %exp3A_302 : vector<16xf32>
    %div3A_306 = arith.constant 1.000000e+00 : f32
    %div3A_307 = vector.broadcast %div3A_306 : f32 to vector<16xf32>
    %div3A_308 = arith.divf %div3A_307, %add3A_305 : vector<16xf32>
    %swap3A_309 = arith.constant 144 : index
    %swap3A_310 = tpu.vector_load %arg12[%swap3A_309] {strides = array<i32>} : memref<512xf32, #tpu.memory_space<vmem>>, vector<16xf32>,
    tpu.vector_store %arg12[%swap3A_309], %div3A_308 {strides = array<i32>} : memref<512xf32, #tpu.memory_space<vmem>>, vector<16xf32>,
    %get3A_311 = arith.constant 160 : index
    %get3A_312 = tpu.vector_load %arg12[%get3A_311] {strides = array<i32>} : memref<512xf32, #tpu.memory_space<vmem>>, vector<16xf32>,
    %neg3A_313 = arith.constant 0.000000e+00 : f32
    %neg3A_314 = vector.broadcast %neg3A_313 : f32 to vector<16xf32>
    %neg3A_315 = arith.subf %neg3A_314, %get3A_312 : vector<16xf32>
    %exp3A_316 = math.exp %neg3A_315 : vector<16xf32>
    %add3A_317 = arith.constant 1.000000e+00 : f32
    %add3A_318 = vector.broadcast %add3A_317 : f32 to vector<16xf32>
    %add3A_319 = arith.addf %add3A_318, %exp3A_316 : vector<16xf32>
    %div3A_320 = arith.constant 1.000000e+00 : f32
    %div3A_321 = vector.broadcast %div3A_320 : f32 to vector<16xf32>
    %div3A_322 = arith.divf %div3A_321, %add3A_319 : vector<16xf32>
    %swap3A_323 = arith.constant 160 : index
    %swap3A_324 = tpu.vector_load %arg12[%swap3A_323] {strides = array<i32>} : memref<512xf32, #tpu.memory_space<vmem>>, vector<16xf32>,
    tpu.vector_store %arg12[%swap3A_323], %div3A_322 {strides = array<i32>} : memref<512xf32, #tpu.memory_space<vmem>>, vector<16xf32>,
    %get3A_325 = arith.constant 176 : index
    %get3A_326 = tpu.vector_load %arg12[%get3A_325] {strides = array<i32>} : memref<512xf32, #tpu.memory_space<vmem>>, vector<16xf32>,
    %neg3A_327 = arith.constant 0.000000e+00 : f32
    %neg3A_328 = vector.broadcast %neg3A_327 : f32 to vector<16xf32>
    %neg3A_329 = arith.subf %neg3A_328, %get3A_326 : vector<16xf32>
    %exp3A_330 = math.exp %neg3A_329 : vector<16xf32>
    %add3A_331 = arith.constant 1.000000e+00 : f32
    %add3A_332 = vector.broadcast %add3A_331 : f32 to vector<16xf32>
    %add3A_333 = arith.addf %add3A_332, %exp3A_330 : vector<16xf32>
    %div3A_334 = arith.constant 1.000000e+00 : f32
    %div3A_335 = vector.broadcast %div3A_334 : f32 to vector<16xf32>
    %div3A_336 = arith.divf %div3A_335, %add3A_333 : vector<16xf32>
    %swap3A_337 = arith.constant 176 : index
    %swap3A_338 = tpu.vector_load %arg12[%swap3A_337] {strides = array<i32>} : memref<512xf32, #tpu.memory_space<vmem>>, vector<16xf32>,
    tpu.vector_store %arg12[%swap3A_337], %div3A_336 {strides = array<i32>} : memref<512xf32, #tpu.memory_space<vmem>>, vector<16xf32>,
    %get3A_339 = arith.constant 192 : index
    %get3A_340 = tpu.vector_load %arg12[%get3A_339] {strides = array<i32>} : memref<512xf32, #tpu.memory_space<vmem>>, vector<16xf32>,
    %neg3A_341 = arith.constant 0.000000e+00 : f32
    %neg3A_342 = vector.broadcast %neg3A_341 : f32 to vector<16xf32>
    %neg3A_343 = arith.subf %neg3A_342, %get3A_340 : vector<16xf32>
    %exp3A_344 = math.exp %neg3A_343 : vector<16xf32>
    %add3A_345 = arith.constant 1.000000e+00 : f32
    %add3A_346 = vector.broadcast %add3A_345 : f32 to vector<16xf32>
    %add3A_347 = arith.addf %add3A_346, %exp3A_344 : vector<16xf32>
    %div3A_348 = arith.constant 1.000000e+00 : f32
    %div3A_349 = vector.broadcast %div3A_348 : f32 to vector<16xf32>
    %div3A_350 = arith.divf %div3A_349, %add3A_347 : vector<16xf32>
    %swap3A_351 = arith.constant 192 : index
    %swap3A_352 = tpu.vector_load %arg12[%swap3A_351] {strides = array<i32>} : memref<512xf32, #tpu.memory_space<vmem>>, vector<16xf32>,
    tpu.vector_store %arg12[%swap3A_351], %div3A_350 {strides = array<i32>} : memref<512xf32, #tpu.memory_space<vmem>>, vector<16xf32>,
    %get3A_353 = arith.constant 208 : index
    %get3A_354 = tpu.vector_load %arg12[%get3A_353] {strides = array<i32>} : memref<512xf32, #tpu.memory_space<vmem>>, vector<16xf32>,
    %neg3A_355 = arith.constant 0.000000e+00 : f32
    %neg3A_356 = vector.broadcast %neg3A_355 : f32 to vector<16xf32>
    %neg3A_357 = arith.subf %neg3A_356, %get3A_354 : vector<16xf32>
    %exp3A_358 = math.exp %neg3A_357 : vector<16xf32>
    %add3A_359 = arith.constant 1.000000e+00 : f32
    %add3A_360 = vector.broadcast %add3A_359 : f32 to vector<16xf32>
    %add3A_361 = arith.addf %add3A_360, %exp3A_358 : vector<16xf32>
    %div3A_362 = arith.constant 1.000000e+00 : f32
    %div3A_363 = vector.broadcast %div3A_362 : f32 to vector<16xf32>
    %div3A_364 = arith.divf %div3A_363, %add3A_361 : vector<16xf32>
    %swap3A_365 = arith.constant 208 : index
    %swap3A_366 = tpu.vector_load %arg12[%swap3A_365] {strides = array<i32>} : memref<512xf32, #tpu.memory_space<vmem>>, vector<16xf32>,
    tpu.vector_store %arg12[%swap3A_365], %div3A_364 {strides = array<i32>} : memref<512xf32, #tpu.memory_space<vmem>>, vector<16xf32>,
    %get3A_367 = arith.constant 224 : index
    %get3A_368 = tpu.vector_load %arg12[%get3A_367] {strides = array<i32>} : memref<512xf32, #tpu.memory_space<vmem>>, vector<16xf32>,
    %neg3A_369 = arith.constant 0.000000e+00 : f32
    %neg3A_370 = vector.broadcast %neg3A_369 : f32 to vector<16xf32>
    %neg3A_371 = arith.subf %neg3A_370, %get3A_368 : vector<16xf32>
    %exp3A_372 = math.exp %neg3A_371 : vector<16xf32>
    %add3A_373 = arith.constant 1.000000e+00 : f32
    %add3A_374 = vector.broadcast %add3A_373 : f32 to vector<16xf32>
    %add3A_375 = arith.addf %add3A_374, %exp3A_372 : vector<16xf32>
    %div3A_376 = arith.constant 1.000000e+00 : f32
    %div3A_377 = vector.broadcast %div3A_376 : f32 to vector<16xf32>
    %div3A_378 = arith.divf %div3A_377, %add3A_375 : vector<16xf32>
    %swap3A_379 = arith.constant 224 : index
    %swap3A_380 = tpu.vector_load %arg12[%swap3A_379] {strides = array<i32>} : memref<512xf32, #tpu.memory_space<vmem>>, vector<16xf32>,
    tpu.vector_store %arg12[%swap3A_379], %div3A_378 {strides = array<i32>} : memref<512xf32, #tpu.memory_space<vmem>>, vector<16xf32>,
    %get3A_381 = arith.constant 240 : index
    %get3A_382 = tpu.vector_load %arg12[%get3A_381] {strides = array<i32>} : memref<512xf32, #tpu.memory_space<vmem>>, vector<16xf32>,
    %neg3A_383 = arith.constant 0.000000e+00 : f32
    %neg3A_384 = vector.broadcast %neg3A_383 : f32 to vector<16xf32>
    %neg3A_385 = arith.subf %neg3A_384, %get3A_382 : vector<16xf32>
    %exp3A_386 = math.exp %neg3A_385 : vector<16xf32>
    %add3A_387 = arith.constant 1.000000e+00 : f32
    %add3A_388 = vector.broadcast %add3A_387 : f32 to vector<16xf32>
    %add3A_389 = arith.addf %add3A_388, %exp3A_386 : vector<16xf32>
    %div3A_390 = arith.constant 1.000000e+00 : f32
    %div3A_391 = vector.broadcast %div3A_390 : f32 to vector<16xf32>
    %div3A_392 = arith.divf %div3A_391, %add3A_389 : vector<16xf32>
    %swap3A_393 = arith.constant 240 : index
    %swap3A_394 = tpu.vector_load %arg12[%swap3A_393] {strides = array<i32>} : memref<512xf32, #tpu.memory_space<vmem>>, vector<16xf32>,
    tpu.vector_store %arg12[%swap3A_393], %div3A_392 {strides = array<i32>} : memref<512xf32, #tpu.memory_space<vmem>>, vector<16xf32>,
    %get3A_395 = arith.constant 256 : index
    %get3A_396 = tpu.vector_load %arg12[%get3A_395] {strides = array<i32>} : memref<512xf32, #tpu.memory_space<vmem>>, vector<16xf32>,
    %neg3A_397 = arith.constant 0.000000e+00 : f32
    %neg3A_398 = vector.broadcast %neg3A_397 : f32 to vector<16xf32>
    %neg3A_399 = arith.subf %neg3A_398, %get3A_396 : vector<16xf32>
    %exp3A_400 = math.exp %neg3A_399 : vector<16xf32>
    %add3A_401 = arith.constant 1.000000e+00 : f32
    %add3A_402 = vector.broadcast %add3A_401 : f32 to vector<16xf32>
    %add3A_403 = arith.addf %add3A_402, %exp3A_400 : vector<16xf32>
    %div3A_404 = arith.constant 1.000000e+00 : f32
    %div3A_405 = vector.broadcast %div3A_404 : f32 to vector<16xf32>
    %div3A_406 = arith.divf %div3A_405, %add3A_403 : vector<16xf32>
    %swap3A_407 = arith.constant 256 : index
    %swap3A_408 = tpu.vector_load %arg12[%swap3A_407] {strides = array<i32>} : memref<512xf32, #tpu.memory_space<vmem>>, vector<16xf32>,
    tpu.vector_store %arg12[%swap3A_407], %div3A_406 {strides = array<i32>} : memref<512xf32, #tpu.memory_space<vmem>>, vector<16xf32>,
    %get3A_409 = arith.constant 272 : index
    %get3A_410 = tpu.vector_load %arg12[%get3A_409] {strides = array<i32>} : memref<512xf32, #tpu.memory_space<vmem>>, vector<16xf32>,
    %neg3A_411 = arith.constant 0.000000e+00 : f32
    %neg3A_412 = vector.broadcast %neg3A_411 : f32 to vector<16xf32>
    %neg3A_413 = arith.subf %neg3A_412, %get3A_410 : vector<16xf32>
    %exp3A_414 = math.exp %neg3A_413 : vector<16xf32>
    %add3A_415 = arith.constant 1.000000e+00 : f32
    %add3A_416 = vector.broadcast %add3A_415 : f32 to vector<16xf32>
    %add3A_417 = arith.addf %add3A_416, %exp3A_414 : vector<16xf32>
    %div3A_418 = arith.constant 1.000000e+00 : f32
    %div3A_419 = vector.broadcast %div3A_418 : f32 to vector<16xf32>
    %div3A_420 = arith.divf %div3A_419, %add3A_417 : vector<16xf32>
    %swap3A_421 = arith.constant 272 : index
    %swap3A_422 = tpu.vector_load %arg12[%swap3A_421] {strides = array<i32>} : memref<512xf32, #tpu.memory_space<vmem>>, vector<16xf32>,
    tpu.vector_store %arg12[%swap3A_421], %div3A_420 {strides = array<i32>} : memref<512xf32, #tpu.memory_space<vmem>>, vector<16xf32>,
    %get3A_423 = arith.constant 288 : index
    %get3A_424 = tpu.vector_load %arg12[%get3A_423] {strides = array<i32>} : memref<512xf32, #tpu.memory_space<vmem>>, vector<16xf32>,
    %neg3A_425 = arith.constant 0.000000e+00 : f32
    %neg3A_426 = vector.broadcast %neg3A_425 : f32 to vector<16xf32>
    %neg3A_427 = arith.subf %neg3A_426, %get3A_424 : vector<16xf32>
    %exp3A_428 = math.exp %neg3A_427 : vector<16xf32>
    %add3A_429 = arith.constant 1.000000e+00 : f32
    %add3A_430 = vector.broadcast %add3A_429 : f32 to vector<16xf32>
    %add3A_431 = arith.addf %add3A_430, %exp3A_428 : vector<16xf32>
    %div3A_432 = arith.constant 1.000000e+00 : f32
    %div3A_433 = vector.broadcast %div3A_432 : f32 to vector<16xf32>
    %div3A_434 = arith.divf %div3A_433, %add3A_431 : vector<16xf32>
    %swap3A_435 = arith.constant 288 : index
    %swap3A_436 = tpu.vector_load %arg12[%swap3A_435] {strides = array<i32>} : memref<512xf32, #tpu.memory_space<vmem>>, vector<16xf32>,
    tpu.vector_store %arg12[%swap3A_435], %div3A_434 {strides = array<i32>} : memref<512xf32, #tpu.memory_space<vmem>>, vector<16xf32>,
    %get3A_437 = arith.constant 304 : index
    %get3A_438 = tpu.vector_load %arg12[%get3A_437] {strides = array<i32>} : memref<512xf32, #tpu.memory_space<vmem>>, vector<16xf32>,
    %neg3A_439 = arith.constant 0.000000e+00 : f32
    %neg3A_440 = vector.broadcast %neg3A_439 : f32 to vector<16xf32>
    %neg3A_441 = arith.subf %neg3A_440, %get3A_438 : vector<16xf32>
    %exp3A_442 = math.exp %neg3A_441 : vector<16xf32>
    %add3A_443 = arith.constant 1.000000e+00 : f32
    %add3A_444 = vector.broadcast %add3A_443 : f32 to vector<16xf32>
    %add3A_445 = arith.addf %add3A_444, %exp3A_442 : vector<16xf32>
    %div3A_446 = arith.constant 1.000000e+00 : f32
    %div3A_447 = vector.broadcast %div3A_446 : f32 to vector<16xf32>
    %div3A_448 = arith.divf %div3A_447, %add3A_445 : vector<16xf32>
    %swap3A_449 = arith.constant 304 : index
    %swap3A_450 = tpu.vector_load %arg12[%swap3A_449] {strides = array<i32>} : memref<512xf32, #tpu.memory_space<vmem>>, vector<16xf32>,
    tpu.vector_store %arg12[%swap3A_449], %div3A_448 {strides = array<i32>} : memref<512xf32, #tpu.memory_space<vmem>>, vector<16xf32>,
    %get3A_451 = arith.constant 320 : index
    %get3A_452 = tpu.vector_load %arg12[%get3A_451] {strides = array<i32>} : memref<512xf32, #tpu.memory_space<vmem>>, vector<16xf32>,
    %neg3A_453 = arith.constant 0.000000e+00 : f32
    %neg3A_454 = vector.broadcast %neg3A_453 : f32 to vector<16xf32>
    %neg3A_455 = arith.subf %neg3A_454, %get3A_452 : vector<16xf32>
    %exp3A_456 = math.exp %neg3A_455 : vector<16xf32>
    %add3A_457 = arith.constant 1.000000e+00 : f32
    %add3A_458 = vector.broadcast %add3A_457 : f32 to vector<16xf32>
    %add3A_459 = arith.addf %add3A_458, %exp3A_456 : vector<16xf32>
    %div3A_460 = arith.constant 1.000000e+00 : f32
    %div3A_461 = vector.broadcast %div3A_460 : f32 to vector<16xf32>
    %div3A_462 = arith.divf %div3A_461, %add3A_459 : vector<16xf32>
    %swap3A_463 = arith.constant 320 : index
    %swap3A_464 = tpu.vector_load %arg12[%swap3A_463] {strides = array<i32>} : memref<512xf32, #tpu.memory_space<vmem>>, vector<16xf32>,
    tpu.vector_store %arg12[%swap3A_463], %div3A_462 {strides = array<i32>} : memref<512xf32, #tpu.memory_space<vmem>>, vector<16xf32>,
    %get3A_465 = arith.constant 336 : index
    %get3A_466 = tpu.vector_load %arg12[%get3A_465] {strides = array<i32>} : memref<512xf32, #tpu.memory_space<vmem>>, vector<16xf32>,
    %neg3A_467 = arith.constant 0.000000e+00 : f32
    %neg3A_468 = vector.broadcast %neg3A_467 : f32 to vector<16xf32>
    %neg3A_469 = arith.subf %neg3A_468, %get3A_466 : vector<16xf32>
    %exp3A_470 = math.exp %neg3A_469 : vector<16xf32>
    %add3A_471 = arith.constant 1.000000e+00 : f32
    %add3A_472 = vector.broadcast %add3A_471 : f32 to vector<16xf32>
    %add3A_473 = arith.addf %add3A_472, %exp3A_470 : vector<16xf32>
    %div3A_474 = arith.constant 1.000000e+00 : f32
    %div3A_475 = vector.broadcast %div3A_474 : f32 to vector<16xf32>
    %div3A_476 = arith.divf %div3A_475, %add3A_473 : vector<16xf32>
    %swap3A_477 = arith.constant 336 : index
    %swap3A_478 = tpu.vector_load %arg12[%swap3A_477] {strides = array<i32>} : memref<512xf32, #tpu.memory_space<vmem>>, vector<16xf32>,
    tpu.vector_store %arg12[%swap3A_477], %div3A_476 {strides = array<i32>} : memref<512xf32, #tpu.memory_space<vmem>>, vector<16xf32>,
    %get3A_479 = arith.constant 352 : index
    %get3A_480 = tpu.vector_load %arg12[%get3A_479] {strides = array<i32>} : memref<512xf32, #tpu.memory_space<vmem>>, vector<16xf32>,
    %neg3A_481 = arith.constant 0.000000e+00 : f32
    %neg3A_482 = vector.broadcast %neg3A_481 : f32 to vector<16xf32>
    %neg3A_483 = arith.subf %neg3A_482, %get3A_480 : vector<16xf32>
    %exp3A_484 = math.exp %neg3A_483 : vector<16xf32>
    %add3A_485 = arith.constant 1.000000e+00 : f32
    %add3A_486 = vector.broadcast %add3A_485 : f32 to vector<16xf32>
    %add3A_487 = arith.addf %add3A_486, %exp3A_484 : vector<16xf32>
    %div3A_488 = arith.constant 1.000000e+00 : f32
    %div3A_489 = vector.broadcast %div3A_488 : f32 to vector<16xf32>
    %div3A_490 = arith.divf %div3A_489, %add3A_487 : vector<16xf32>
    %swap3A_491 = arith.constant 352 : index
    %swap3A_492 = tpu.vector_load %arg12[%swap3A_491] {strides = array<i32>} : memref<512xf32, #tpu.memory_space<vmem>>, vector<16xf32>,
    tpu.vector_store %arg12[%swap3A_491], %div3A_490 {strides = array<i32>} : memref<512xf32, #tpu.memory_space<vmem>>, vector<16xf32>,
    %get3A_493 = arith.constant 368 : index
    %get3A_494 = tpu.vector_load %arg12[%get3A_493] {strides = array<i32>} : memref<512xf32, #tpu.memory_space<vmem>>, vector<16xf32>,
    %neg3A_495 = arith.constant 0.000000e+00 : f32
    %neg3A_496 = vector.broadcast %neg3A_495 : f32 to vector<16xf32>
    %neg3A_497 = arith.subf %neg3A_496, %get3A_494 : vector<16xf32>
    %exp3A_498 = math.exp %neg3A_497 : vector<16xf32>
    %add3A_499 = arith.constant 1.000000e+00 : f32
    %add3A_500 = vector.broadcast %add3A_499 : f32 to vector<16xf32>
    %add3A_501 = arith.addf %add3A_500, %exp3A_498 : vector<16xf32>
    %div3A_502 = arith.constant 1.000000e+00 : f32
    %div3A_503 = vector.broadcast %div3A_502 : f32 to vector<16xf32>
    %div3A_504 = arith.divf %div3A_503, %add3A_501 : vector<16xf32>
    %swap3A_505 = arith.constant 368 : index
    %swap3A_506 = tpu.vector_load %arg12[%swap3A_505] {strides = array<i32>} : memref<512xf32, #tpu.memory_space<vmem>>, vector<16xf32>,
    tpu.vector_store %arg12[%swap3A_505], %div3A_504 {strides = array<i32>} : memref<512xf32, #tpu.memory_space<vmem>>, vector<16xf32>,
    %get3A_507 = arith.constant 384 : index
    %get3A_508 = tpu.vector_load %arg12[%get3A_507] {strides = array<i32>} : memref<512xf32, #tpu.memory_space<vmem>>, vector<16xf32>,
    %neg3A_509 = arith.constant 0.000000e+00 : f32
    %neg3A_510 = vector.broadcast %neg3A_509 : f32 to vector<16xf32>
    %neg3A_511 = arith.subf %neg3A_510, %get3A_508 : vector<16xf32>
    %exp3A_512 = math.exp %neg3A_511 : vector<16xf32>
    %add3A_513 = arith.constant 1.000000e+00 : f32
    %add3A_514 = vector.broadcast %add3A_513 : f32 to vector<16xf32>
    %add3A_515 = arith.addf %add3A_514, %exp3A_512 : vector<16xf32>
    %div3A_516 = arith.constant 1.000000e+00 : f32
    %div3A_517 = vector.broadcast %div3A_516 : f32 to vector<16xf32>
    %div3A_518 = arith.divf %div3A_517, %add3A_515 : vector<16xf32>
    %swap3A_519 = arith.constant 384 : index
    %swap3A_520 = tpu.vector_load %arg12[%swap3A_519] {strides = array<i32>} : memref<512xf32, #tpu.memory_space<vmem>>, vector<16xf32>,
    tpu.vector_store %arg12[%swap3A_519], %div3A_518 {strides = array<i32>} : memref<512xf32, #tpu.memory_space<vmem>>, vector<16xf32>,
    %get3A_521 = arith.constant 400 : index
    %get3A_522 = tpu.vector_load %arg12[%get3A_521] {strides = array<i32>} : memref<512xf32, #tpu.memory_space<vmem>>, vector<16xf32>,
    %neg3A_523 = arith.constant 0.000000e+00 : f32
    %neg3A_524 = vector.broadcast %neg3A_523 : f32 to vector<16xf32>
    %neg3A_525 = arith.subf %neg3A_524, %get3A_522 : vector<16xf32>
    %exp3A_526 = math.exp %neg3A_525 : vector<16xf32>
    %add3A_527 = arith.constant 1.000000e+00 : f32
    %add3A_528 = vector.broadcast %add3A_527 : f32 to vector<16xf32>
    %add3A_529 = arith.addf %add3A_528, %exp3A_526 : vector<16xf32>
    %div3A_530 = arith.constant 1.000000e+00 : f32
    %div3A_531 = vector.broadcast %div3A_530 : f32 to vector<16xf32>
    %div3A_532 = arith.divf %div3A_531, %add3A_529 : vector<16xf32>
    %swap3A_533 = arith.constant 400 : index
    %swap3A_534 = tpu.vector_load %arg12[%swap3A_533] {strides = array<i32>} : memref<512xf32, #tpu.memory_space<vmem>>, vector<16xf32>,
    tpu.vector_store %arg12[%swap3A_533], %div3A_532 {strides = array<i32>} : memref<512xf32, #tpu.memory_space<vmem>>, vector<16xf32>,
    %get3A_535 = arith.constant 416 : index
    %get3A_536 = tpu.vector_load %arg12[%get3A_535] {strides = array<i32>} : memref<512xf32, #tpu.memory_space<vmem>>, vector<16xf32>,
    %neg3A_537 = arith.constant 0.000000e+00 : f32
    %neg3A_538 = vector.broadcast %neg3A_537 : f32 to vector<16xf32>
    %neg3A_539 = arith.subf %neg3A_538, %get3A_536 : vector<16xf32>
    %exp3A_540 = math.exp %neg3A_539 : vector<16xf32>
    %add3A_541 = arith.constant 1.000000e+00 : f32
    %add3A_542 = vector.broadcast %add3A_541 : f32 to vector<16xf32>
    %add3A_543 = arith.addf %add3A_542, %exp3A_540 : vector<16xf32>
    %div3A_544 = arith.constant 1.000000e+00 : f32
    %div3A_545 = vector.broadcast %div3A_544 : f32 to vector<16xf32>
    %div3A_546 = arith.divf %div3A_545, %add3A_543 : vector<16xf32>
    %swap3A_547 = arith.constant 416 : index
    %swap3A_548 = tpu.vector_load %arg12[%swap3A_547] {strides = array<i32>} : memref<512xf32, #tpu.memory_space<vmem>>, vector<16xf32>,
    tpu.vector_store %arg12[%swap3A_547], %div3A_546 {strides = array<i32>} : memref<512xf32, #tpu.memory_space<vmem>>, vector<16xf32>,
    %get3A_549 = arith.constant 432 : index
    %get3A_550 = tpu.vector_load %arg12[%get3A_549] {strides = array<i32>} : memref<512xf32, #tpu.memory_space<vmem>>, vector<16xf32>,
    %neg3A_551 = arith.constant 0.000000e+00 : f32
    %neg3A_552 = vector.broadcast %neg3A_551 : f32 to vector<16xf32>
    %neg3A_553 = arith.subf %neg3A_552, %get3A_550 : vector<16xf32>
    %exp3A_554 = math.exp %neg3A_553 : vector<16xf32>
    %add3A_555 = arith.constant 1.000000e+00 : f32
    %add3A_556 = vector.broadcast %add3A_555 : f32 to vector<16xf32>
    %add3A_557 = arith.addf %add3A_556, %exp3A_554 : vector<16xf32>
    %div3A_558 = arith.constant 1.000000e+00 : f32
    %div3A_559 = vector.broadcast %div3A_558 : f32 to vector<16xf32>
    %div3A_560 = arith.divf %div3A_559, %add3A_557 : vector<16xf32>
    %swap3A_561 = arith.constant 432 : index
    %swap3A_562 = tpu.vector_load %arg12[%swap3A_561] {strides = array<i32>} : memref<512xf32, #tpu.memory_space<vmem>>, vector<16xf32>,
    tpu.vector_store %arg12[%swap3A_561], %div3A_560 {strides = array<i32>} : memref<512xf32, #tpu.memory_space<vmem>>, vector<16xf32>,
    %get3A_563 = arith.constant 448 : index
    %get3A_564 = tpu.vector_load %arg12[%get3A_563] {strides = array<i32>} : memref<512xf32, #tpu.memory_space<vmem>>, vector<16xf32>,
    %neg3A_565 = arith.constant 0.000000e+00 : f32
    %neg3A_566 = vector.broadcast %neg3A_565 : f32 to vector<16xf32>
    %neg3A_567 = arith.subf %neg3A_566, %get3A_564 : vector<16xf32>
    %exp3A_568 = math.exp %neg3A_567 : vector<16xf32>
    %add3A_569 = arith.constant 1.000000e+00 : f32
    %add3A_570 = vector.broadcast %add3A_569 : f32 to vector<16xf32>
    %add3A_571 = arith.addf %add3A_570, %exp3A_568 : vector<16xf32>
    %div3A_572 = arith.constant 1.000000e+00 : f32
    %div3A_573 = vector.broadcast %div3A_572 : f32 to vector<16xf32>
    %div3A_574 = arith.divf %div3A_573, %add3A_571 : vector<16xf32>
    %swap3A_575 = arith.constant 448 : index
    %swap3A_576 = tpu.vector_load %arg12[%swap3A_575] {strides = array<i32>} : memref<512xf32, #tpu.memory_space<vmem>>, vector<16xf32>,
    tpu.vector_store %arg12[%swap3A_575], %div3A_574 {strides = array<i32>} : memref<512xf32, #tpu.memory_space<vmem>>, vector<16xf32>,
    %get3A_577 = arith.constant 464 : index
    %get3A_578 = tpu.vector_load %arg12[%get3A_577] {strides = array<i32>} : memref<512xf32, #tpu.memory_space<vmem>>, vector<16xf32>,
    %neg3A_579 = arith.constant 0.000000e+00 : f32
    %neg3A_580 = vector.broadcast %neg3A_579 : f32 to vector<16xf32>
    %neg3A_581 = arith.subf %neg3A_580, %get3A_578 : vector<16xf32>
    %exp3A_582 = math.exp %neg3A_581 : vector<16xf32>
    %add3A_583 = arith.constant 1.000000e+00 : f32
    %add3A_584 = vector.broadcast %add3A_583 : f32 to vector<16xf32>
    %add3A_585 = arith.addf %add3A_584, %exp3A_582 : vector<16xf32>
    %div3A_586 = arith.constant 1.000000e+00 : f32
    %div3A_587 = vector.broadcast %div3A_586 : f32 to vector<16xf32>
    %div3A_588 = arith.divf %div3A_587, %add3A_585 : vector<16xf32>
    %swap3A_589 = arith.constant 464 : index
    %swap3A_590 = tpu.vector_load %arg12[%swap3A_589] {strides = array<i32>} : memref<512xf32, #tpu.memory_space<vmem>>, vector<16xf32>,
    tpu.vector_store %arg12[%swap3A_589], %div3A_588 {strides = array<i32>} : memref<512xf32, #tpu.memory_space<vmem>>, vector<16xf32>,
    %get3A_591 = arith.constant 480 : index
    %get3A_592 = tpu.vector_load %arg12[%get3A_591] {strides = array<i32>} : memref<512xf32, #tpu.memory_space<vmem>>, vector<16xf32>,
    %neg3A_593 = arith.constant 0.000000e+00 : f32
    %neg3A_594 = vector.broadcast %neg3A_593 : f32 to vector<16xf32>
    %neg3A_595 = arith.subf %neg3A_594, %get3A_592 : vector<16xf32>
    %exp3A_596 = math.exp %neg3A_595 : vector<16xf32>
    %add3A_597 = arith.constant 1.000000e+00 : f32
    %add3A_598 = vector.broadcast %add3A_597 : f32 to vector<16xf32>
    %add3A_599 = arith.addf %add3A_598, %exp3A_596 : vector<16xf32>
    %div3A_600 = arith.constant 1.000000e+00 : f32
    %div3A_601 = vector.broadcast %div3A_600 : f32 to vector<16xf32>
    %div3A_602 = arith.divf %div3A_601, %add3A_599 : vector<16xf32>
    %swap3A_603 = arith.constant 480 : index
    %swap3A_604 = tpu.vector_load %arg12[%swap3A_603] {strides = array<i32>} : memref<512xf32, #tpu.memory_space<vmem>>, vector<16xf32>,
    tpu.vector_store %arg12[%swap3A_603], %div3A_602 {strides = array<i32>} : memref<512xf32, #tpu.memory_space<vmem>>, vector<16xf32>,
    %get3A_605 = arith.constant 496 : index
    %get3A_606 = tpu.vector_load %arg12[%get3A_605] {strides = array<i32>} : memref<512xf32, #tpu.memory_space<vmem>>, vector<16xf32>,
    %neg3A_607 = arith.constant 0.000000e+00 : f32
    %neg3A_608 = vector.broadcast %neg3A_607 : f32 to vector<16xf32>
    %neg3A_609 = arith.subf %neg3A_608, %get3A_606 : vector<16xf32>
    %exp3A_610 = math.exp %neg3A_609 : vector<16xf32>
    %add3A_611 = arith.constant 1.000000e+00 : f32
    %add3A_612 = vector.broadcast %add3A_611 : f32 to vector<16xf32>
    %add3A_613 = arith.addf %add3A_612, %exp3A_610 : vector<16xf32>
    %div3A_614 = arith.constant 1.000000e+00 : f32
    %div3A_615 = vector.broadcast %div3A_614 : f32 to vector<16xf32>
    %div3A_616 = arith.divf %div3A_615, %add3A_613 : vector<16xf32>
    %swap3A_617 = arith.constant 496 : index
    %swap3A_618 = tpu.vector_load %arg12[%swap3A_617] {strides = array<i32>} : memref<512xf32, #tpu.memory_space<vmem>>, vector<16xf32>,
    tpu.vector_store %arg12[%swap3A_617], %div3A_616 {strides = array<i32>} : memref<512xf32, #tpu.memory_space<vmem>>, vector<16xf32>,
    "tpu.region"() ({
      %run_scoped3A = tpu.sem_alloc : memref<!tpu.dma_semaphore, #tpu.memory_space<semaphore_mem>>
      %dma_start3A_619 = tpu.memref_slice %arg6[%mul3A_2] : memref<16384xf32, #tpu.memory_space<hbm>> -> memref<512xf32, #tpu.memory_space<hbm>>
      %dma_start3A_620 = tpu.memref_slice %arg6[%mul3A_2] : memref<16384xf32, #tpu.memory_space<hbm>> -> memref<512xf32, #tpu.memory_space<hbm>>
      tpu.enqueue_dma source(%arg12 : memref<512xf32, #tpu.memory_space<vmem>>) target(%dma_start3A_620 : memref<512xf32, #tpu.memory_space<hbm>>) target_semaphore(%run_scoped3A : memref<!tpu.dma_semaphore, #tpu.memory_space<semaphore_mem>>)
      %dma_wait3A = tpu.memref_slice %arg6[%mul3A_2] : memref<16384xf32, #tpu.memory_space<hbm>> -> memref<512xf32, #tpu.memory_space<hbm>>
      %dma_wait3A_621 = tpu.memref_slice %arg6[%mul3A_2] : memref<16384xf32, #tpu.memory_space<hbm>> -> memref<512xf32, #tpu.memory_space<hbm>>
      tpu.wait_dma2 semaphore(%run_scoped3A : memref<!tpu.dma_semaphore, #tpu.memory_space<semaphore_mem>>) src(%arg12 : memref<512xf32, #tpu.memory_space<vmem>>) dst(%dma_wait3A_621 : memref<512xf32, #tpu.memory_space<hbm>>)
      tpu.yield
    }) : () -> ()
    return
  }
}

</mosaic_0001>

<sc_bundles>
// kernel: _mf_dot.3.cloned.1.call-start
scs
__scs_entry_jumppad:
0x0: {  	(pc) =	sbr.rel $0x88, $3  }
0x1: {  	(tag) =	ssettag $0x0;
	lr =	simm.s32 $0x1  }
0x2: {  	[smem:$0x3F9D] =	sst lr;
	_ =	strace $0xD0000000  }
0x3: {  	_ = 	snop  }
0x4: {  	_ = 	snop  }
0x5: {  	_ = 	snop  }
0x6: {  	_ = 	snop  }
0x7: {  	_ = 	snop  }
__scs_overlays_trampoline_lowered:
0x8: {  	[smem:$0x3FAC] =	sst s0  }
0x9: {  	[smem:$0x3FAD] =	sst s1  }
0xa: {  	[smem:$0x3FAE] =	sst s2  }
0xb: {  	[smem:$0x3FAF] =	sst s3  }
0xc: {  	[smem:$0x3FB0] =	sst s4  }
0xd: {  	[smem:$0x3FB1] =	sst s5  }
0xe: {  	[smem:$0x3FB2] =	sst s6  }
0xf: {  	[smem:$0x3FB3] =	sst s7  }
0x10: {  	[smem:$0x3FB4] =	sst s8  }
0x11: {  	[smem:$0x3FB5] =	sst s9;
	s0 =	simm.s32 @!p0 $0x0  }
0x12: {  	s1 =	sld [smem:$0x3F9B];
	s0 =	simm.s32 @p0 $0x1  }
0x13: {  	[smem:$0x3FB6] =	sst s0;
	s0 =	simm.s32 @!p1 $0x0  }
0x14: {  	s2 =	sld [smem:$0x3F9A];
	s0 =	simm.s32 @p1 $0x1  }
0x15: {  	[smem:$0x3FB7] =	sst s0;
	s0 =	simm.s32 @!p2 $0x0  }
0x16: {  	s3 =	sld [smem:$0x3FDB];
	s0 =	simm.s32 @p2 $0x1  }
0x17: {  	s4 =	simm.s32 $0x1BF5;
	[smem:$0x3FB9] =	sst s0  }
0x18: {  	s0 =	sld [smem:$0x3F9C];
	_ =	swait.ge [sflag:s4], $0x0  }
0x19: {  	s7 =	sld [smem:$0x3F9D]  }
0x1a: {  	s8 =	sadd.s32 $0xFFFFE003, lr  }
0x1b: {  	s9 =	sadd.s32 $0xFFFFFEF7, lr;
	s5 =	simm.s32 $0xFFFFFFFF;
	p2 =	slt.u32 s8, $0xFFFFF086  }
0x1c: {  	p1 =	slt.u32 s9, $0xF7A;
	s5 =	simm.s32 @!p2 $0x0  }
0x1d: {  	s5 =	simm.s32 @p1 $0x1;
	p0 =	seq.s32 s7, s2  }
0x1e: {  	s7 =	smul.u32 @!p0 $0xF7A, s2;
	p2 =	seq.s32 @!p0 s5, $0x0  }
0x1f: {  	s9 =	smul.u32 $0xF7A, s1;
	s8 =	simm.s32 @!p0 $0x1BF5;
	p2 =	por !p2, p0  }
0x20: {  	[sflag:s8] =	ssyncset.s32 @!p0 $0xFFFFF086;
	s6 =	sadd.s32 @!p0 s3, s7;
	s7 =	simm.s32 @!p0 $0x108  }
0x21: {  	s3 =	sadd.s32 s3, s9;
	s6 =	sadd.s32 @!p0 $0x88, s6;
	s7 =	simm.s32 @p2 $0x1082  }
0x22: {  	[simem:s7], [sflag:s8] =	dma.local @!p0 [hbm:s6], $0xF7A  }
0x23: {  	s9 =	sor.u32 $0xD0000000, s2;
	s6 =	simm.s32 $0x108;
	_ =	swait.ge @!p0 [sflag:s8], $0x0  }
0x24: {  	s3 =	sadd.s32 $0x88, s3;
	s6 =	simm.s32 @!p1 $0x1082;
	[sflag:s4] =	ssyncset.s32 $0xFFFFF086  }
0x25: {  	[simem:s6], [sflag:s4] =	dma.local [hbm:s3], $0xF7A  }
0x26: {  	[smem:$0x3F9D] =	sst s1;
	(tag) =	ssettag s2;
	_ =	strace s9  }
0x27: {  	s1 =	sld [smem:$0x3FAD]  }
0x28: {  	s2 =	sld [smem:$0x3FAE]  }
0x29: {  	s4 =	sld [smem:$0x3FB0]  }
0x2a: {  	p0 =	seq.s32 s5, $0x0;
	s5 =	sld [smem:$0x3FB1]  }
0x2b: {  	s6 =	sld [smem:$0x3FB2]  }
0x2c: {  	s7 =	sld [smem:$0x3FB3]  }
0x2d: {  	s3 =	simm.s32 $0x108;
	s8 =	sld [smem:$0x3FB4]  }
0x2e: {  	s3 =	simm.s32 @!p0 $0x1082;
	s9 =	sld [smem:$0x3FB5]  }
0x2f: {  	lr =	sadd.s32 s0, s3;
	s0 =	sld [smem:$0x3FAC]  }
0x30: {  	s3 =	sld [smem:$0x3FAF]  }
0x31: {  	[smem:$0x3FB8] =	sst s10  }
0x32: {  	s10 =	sld [smem:$0x3FB6];
	_ =	sdelay $0x3  }
0x33: {  	p0 =	seq.s32 s10, $0x1;
	s10 =	sld [smem:$0x3FB8];
	_ =	sdelay $0x3  }
0x34: {  	[smem:$0x3FB8] =	sst s10  }
0x35: {  	s10 =	sld [smem:$0x3FB7];
	_ =	sdelay $0x3  }
0x36: {  	p1 =	seq.s32 s10, $0x1;
	s10 =	sld [smem:$0x3FB8];
	_ =	sdelay $0x3  }
0x37: {  	[smem:$0x3FB8] =	sst s10  }
0x38: {  	s10 =	sld [smem:$0x3FB9]  }
0x39: {  	_ = 	snop;
	(pc) =	sbr.ind lr, $3  }
0x3a: {  	_ = 	snop  }
0x3b: {  	_ = 	snop  }
0x3c: {  	p2 =	seq.s32 s10, $0x1;
	s10 =	sld [smem:$0x3FB8]  }
0x3d: {  	_ =	shalt  }
0x3e: {  	_ =	shalt  }
0x3f: {  	_ =	shalt  }
0x40: {  	_ =	shalt  }
0x41: {  	_ =	shalt  }
0x42: {  	_ =	shalt  }
0x43: {  	_ =	shalt  }
0x44: {  	_ =	shalt  }
0x45: {  	_ =	shalt  }
0x46: {  	_ =	shalt  }
0x47: {  	_ =	shalt  }
0x48: {  	_ =	shalt  }
0x49: {  	_ =	shalt  }
0x4a: {  	_ =	shalt  }
0x4b: {  	_ =	shalt  }
0x4c: {  	_ =	shalt  }
0x4d: {  	_ =	shalt  }
0x4e: {  	_ =	shalt  }
0x4f: {  	_ =	shalt  }
0x50: {  	_ =	shalt  }
0x51: {  	_ =	shalt  }
0x52: {  	_ =	shalt  }
0x53: {  	_ =	shalt  }
0x54: {  	_ =	shalt  }
0x55: {  	_ =	shalt  }
0x56: {  	_ =	shalt  }
0x57: {  	_ =	shalt  }
0x58: {  	_ =	shalt  }
0x59: {  	_ =	shalt  }
0x5a: {  	_ =	shalt  }
0x5b: {  	_ =	shalt  }
0x5c: {  	_ =	shalt  }
0x5d: {  	_ =	shalt  }
0x5e: {  	_ =	shalt  }
0x5f: {  	_ =	shalt  }
0x60: {  	_ =	shalt  }
0x61: {  	_ =	shalt  }
0x62: {  	_ =	shalt  }
0x63: {  	_ =	shalt  }
0x64: {  	_ =	shalt  }
0x65: {  	_ =	shalt  }
0x66: {  	_ =	shalt  }
0x67: {  	_ =	shalt  }
0x68: {  	_ =	shalt  }
0x69: {  	_ =	shalt  }
0x6a: {  	_ =	shalt  }
0x6b: {  	_ =	shalt  }
0x6c: {  	_ =	shalt  }
0x6d: {  	_ =	shalt  }
0x6e: {  	_ =	shalt  }
0x6f: {  	_ =	shalt  }
0x70: {  	_ =	shalt  }
0x71: {  	_ =	shalt  }
0x72: {  	_ =	shalt  }
0x73: {  	_ =	shalt  }
0x74: {  	_ =	shalt  }
0x75: {  	_ =	shalt  }
0x76: {  	_ =	shalt  }
0x77: {  	_ =	shalt  }
0x78: {  	_ =	shalt  }
0x79: {  	_ =	shalt  }
0x7a: {  	_ =	shalt  }
0x7b: {  	_ =	shalt  }
0x7c: {  	_ =	shalt  }
0x7d: {  	_ =	shalt  }
0x7e: {  	_ =	shalt  }
0x7f: {  	_ =	shalt  }
0x80: {  	_ =	shalt  }
0x81: {  	_ =	shalt  }
0x82: {  	_ =	shalt  }
0x83: {  	_ =	shalt  }
0x84: {  	_ =	shalt  }
0x85: {  	_ =	shalt  }
0x86: {  	_ =	shalt  }
0x87: {  	_ =	shalt  }
.Lfunc_end0:
.L_simem_size_0:
called_computation_lowered:
.L_overlay_start_0:
0x88: {  	s2 =	sld [smem:$0x3FD9]  }
0x89: {  	s3 =	sld [smem:$0x3FFE];
	_ =	sdelay $0x1  }
0x8a: {  	s1 =	srdreg.scid  }
0x8b: {  	s0 =	sand.u32 $0x1, s1  }
0x8c: {  	s18 =	sshll.u32 s0, $0xA;
	s2 =	sadd.s32 s3, s2  }
0x8d: {  	s2 =	sadd.s32 s2, s18  }
0x8e: {  	[smem:$0x3FC4] =	sst s2  }
0x8f: {  	_ = 	snop  }
0x90: {  	s2 =	sld [smem:$0x3FC9]  }
0x91: {  	s19 =	sld [smem:$0x3FC8]  }
0x92: {  	s4 =	sld [smem:$0x3FC7]  }
0x93: {  	s5 =	sld [smem:$0x3FC6]  }
0x94: {  	s6 =	sld [smem:$0x3FD0];
	(tm) =	ssettm $0x1  }
0x95: {  	s7 =	sld [smem:$0x3FFB];
	_ =	sdelay $0x3  }
0x96: {  	_ =	strace s7  }
0x97: {  	s7 =	sld [smem:$0x3FFC];
	_ =	sdelay $0x3  }
0x98: {  	_ =	strace s7  }
0x99: {  	s7 =	sld [smem:$0x3FFD];
	_ =	sdelay $0x3  }
0x9a: {  	_ =	strace s7  }
0x9b: {  	_ =	strace $0x8FFFFFFF  }
0x9c: {  	s20 =	sld [smem:$0x3FDB];
	_ =	sdelay $0x1  }
0x9d: {  	s8 =	simm.s32 $_scs_section_size  }
0x9e: {  	s9 =	simm.s32 $_size__tile_overlayer_lowered;
	s10 =	simm.s32 $_tile_overlayer_lowered  }
0x9f: {  	s23 =	simm.s32 $0x1BFF;
	s22 =	sshll.u32 s10, $0x1;
	s7 =	sadd.s32 s8, s20  }
0xa0: {  	s11 =	simm.s32 $0x0;
	s21 =	sshll.u32 s9, $0x1;
	s9 =	sadd.s32 s22, s7  }
0xa1: {  	[timem:s11], [sflag:s23] =	dma.local [hbm:s9], s21  }
0xa2: {  	_ =	swait.ge [sflag:s23], s21  }
0xa3: {  	s8 =	ssub.s32 $0x0, s21;
	[sflag:s23] =	ssyncset.done $0x0  }
0xa4: {  	[sflag:s23] =	ssyncadd.s32 s8;
	_ =	sdelay $0x1  }
0xa5: {  	s24 =	simm.s32 $0x1B8B  }
0xa6: {  	_ =	swait.ge [sflag:s24], $0x1  }
0xa7: {  	[sflag:s24] =	ssyncset.done $0x0  }
0xa8: {  	s25 =	simm.s32 $0x1B8E;
	[sflag:s24] =	ssyncadd.s32 $0xFFFFFFFF  }
0xa9: {  	s26 =	simm.s32 $execute0_lowered;
	[smem:$0x3FD2] =	sst s25  }
0xaa: {  	s8 =	sshll.u32 s26, $0x1;
	_ =	strace $0x80000046;
	[dreg:$0x1] =	wrdreg $0xFFFFFFFF  }
0xab: {  	s28 =	simm.s32 $_size_execute0_lowered;
	s7 =	sadd.s32 s7, s8;
	[dreg:$0x0] =	wrdreg $0x0  }
0xac: {  	s8 =	sshll.u32 s28, $0x1;
	[dreg:$0x2] =	wrdreg s7  }
0xad: {  	[dreg:$0x3] =	wrdreg s8  }
0xae: {  	[dreg:$0x4] =	wrdreg $0xC0  }
0xaf: {  	_ =	task [dreg:s11], $0x5FFFF  }
0xb0: {  	[dreg:$0x1] =	wrdreg $0xFFFFFFFF  }
0xb1: {  	[dreg:$0x0] =	wrdreg $0x60  }
0xb2: {  	[dreg:$0x2] =	wrdreg s2  }
0xb3: {  	[dreg:$0x3] =	wrdreg s19  }
0xb4: {  	[dreg:$0x4] =	wrdreg s4  }
0xb5: {  	[dreg:$0x5] =	wrdreg s5  }
0xb6: {  	[dreg:$0x6] =	wrdreg s6  }
0xb7: {  	[dreg:$0x7] =	wrdreg $0x9  }
0xb8: {  	_ =	task.clear_ibuf [dreg:s11], $0x8FFFF;
	_ =	strace $0x90000046  }
0xb9: {  	s29 =	simm.s32 $0x9;
	_ =	strace $0x80000048  }
0xba: {  	_ =	swait.ge [sflag:s29], $0x1  }
0xbb: {  	[sflag:s29] =	ssyncadd.s32 $0xFFFFFFFF  }
0xbc: {  	_ =	strace $0x90000048  }
0xbd: {  	_ =	sfence  }
0xbe: {  	s30 =	sld [smem:$0x0];
	_ =	sdelay $0x2  }
0xbf: {  	s31 =	sshll.u32 s1, $0xD;
	s1 =	sshrl.u32 s1, $0x2  }
0xc0: {  	s3 =	sand.u32 $0x4000, s31;
	s1 =	sadd.s32 s1, s30  }
0xc1: {  	s0 =	sor.u32 s3, s0;
	s1 =	sshll.u32 s1, $0x11  }
0xc2: {  	s0 =	sor.u32 s1, s0  }
0xc3: {  	s0 =	sadd.s32 $0x8F2B, s0  }
0xc4: {  	[sflag:s0] =	ssyncadd.remote.s32 $0x1  }
0xc5: {  	_ =	sfence.sel $0xFFFF  }
0xc6: {  	[dreg:$0x0] =	wrdreg $0xFFFFFFFF;
	(pc) =	sbr.abs _section_cstart, $3  }
0xc7: {  	[dreg:$0x1] =	wrdreg $0xFFFFFFFF  }
0xc8: {  	_ =	task.clear_ibuf [dreg:s11], $0x2FFFF;
	_ =	strace $0x9FFFFFFF  }
0xc9: {  	(tm) =	ssettm $0x7FFFFFFF  }
tec
execute0_lowered:
.L_overlay_start_1:
0x0: {  	(tag) =	ssettag $0x1  }
0x1: {  	v0 =	vimm.s32 $0x1B1BE4E4;
	v1 =	vimm.s32 $0xC00;
	vm14 =	vcmask $0x300  }
0x2: {  	vm13 =	vcmask $0x704;
	vm12 =	vcmask $0xB08;
	vm11 =	vcmask $0xF0C  }
0x3: {  	vm10 =	vcmask $0x1310;
	v2 =	vimm.s32 $0xC80;
	vm9 =	vcmask $0x1714  }
0x4: {  	vm8 =	vcmask $0x1B18;
	vm7 =	vcmask $0x1F1C;
	vm6 =	vcmask $0x2320  }
0x5: {  	vm5 =	vcmask $0x2724;
	vm4 =	vcmask $0x2B28;
	vm3 =	vcmask $0x2F2C  }
0x6: {  	vm2 =	vcmask $0x3330;
	vm1 =	vcmask $0x3734;
	vm0 =	vcmask $0x3B38  }
0x7: {  	v3 =	vimm.s32 $0xD00;
	v4 =	vimm.s32 $0xD80;
	v5 =	vimm.s32 $0xE00  }
0x8: {  	v6 =	vimm.s32 $0xE80;
	v7 =	vimm.s32 $0xF00;
	v8 =	vimm.s32 $0xF80  }
0x9: {  	v9 =	vimm.s32 $0x4C00;
	v10 =	vimm.s32 $0x4C80;
	v11 =	vlaneseq.u32  }
0xa: {  	v12 =	vimm.s32 $0xBA98FEDC;
	v13 =	vimm.s32 $0x32107654;
	v15 =	vimm.s32 $0x4D80  }
0xb: {  	v16 =	vimm.s32 $0x4E00;
	v17 =	vimm.s32 $0x4E80;
	v18 =	vimm.s32 $0x4F00  }
0xc: {  	v19 =	vimm.s32 $0x4F80;
	v0 =	vunpack.c.l.s2.s4 v0;
	v1 =	vsel vm14, $0x0, v1  }
0xd: {  	v2 =	vsel vm14, $0x80, v2;
	v3 =	vsel vm14, $0x100, v3;
	v4 =	vsel vm14, $0x180, v4  }
0xe: {  	v5 =	vsel vm14, $0x200, v5;
	v6 =	vsel vm14, $0x280, v6;
	v7 =	vsel vm14, $0x300, v7  }
0xf: {  	v8 =	vsel vm14, $0x380, v8;
	v9 =	vsel vm14, $0x4000, v9;
	v10 =	vsel vm14, $0x4080, v10  }
0x10: {  	v12 =	vunpack.c.l.s4.s8 v12;
	v13 =	vunpack.c.l.s4.s8 v13;
	v14 =	vmul.u32 $0xFFFFFFFF, v11  }
0x11: {  	v11 =	vand.u32 $0x3, v11;
	v15 =	vsel vm14, $0x4180, v15;
	v16 =	vsel vm14, $0x4200, v16  }
0x12: {  	v17 =	vsel vm14, $0x4280, v17;
	v18 =	vsel vm14, $0x4300, v18;
	v19 =	vsel vm14, $0x4380, v19  }
0x13: {  	v1 =	vsel vm13, $0x1000, v1;
	v2 =	vsel vm13, $0x1080, v2;
	v3 =	vsel vm13, $0x1100, v3  }
0x14: {  	v4 =	vsel vm13, $0x1180, v4;
	v5 =	vsel vm13, $0x1200, v5;
	v6 =	vsel vm13, $0x1280, v6  }
0x15: {  	v7 =	vsel vm13, $0x1300, v7;
	v8 =	vsel vm13, $0x1380, v8;
	v9 =	vsel vm13, $0x5000, v9  }
0x16: {  	v10 =	vsel vm13, $0x5080, v10;
	v15 =	vsel vm13, $0x5180, v15;
	v16 =	vsel vm13, $0x5200, v16  }
0x17: {  	v17 =	vsel vm13, $0x5280, v17;
	v18 =	vsel vm13, $0x5300, v18;
	v19 =	vsel vm13, $0x5380, v19  }
0x18: {  	v0 =	vunpack.c.l.s4.s8 v0;
	v1 =	vsel vm12, $0x2000, v1;
	v2 =	vsel vm12, $0x2080, v2  }
0x19: {  	v3 =	vsel vm12, $0x2100, v3;
	v4 =	vsel vm12, $0x2180, v4;
	v5 =	vsel vm12, $0x2200, v5  }
0x1a: {  	v6 =	vsel vm12, $0x2280, v6;
	v7 =	vsel vm12, $0x2300, v7;
	v8 =	vsel vm12, $0x2380, v8  }
0x1b: {  	v9 =	vsel vm12, $0x6000, v9;
	v10 =	vsel vm12, $0x6080, v10;
	v12 =	vunpack.c.0.s8.s32 v12  }
0x1c: {  	v13 =	vunpack.c.0.s8.s32 v13;
	v15 =	vsel vm12, $0x6180, v15;
	v16 =	vsel vm12, $0x6200, v16  }
0x1d: {  	v17 =	vsel vm12, $0x6280, v17;
	v18 =	vsel vm12, $0x6300, v18;
	v19 =	vsel vm12, $0x6380, v19  }
0x1e: {  	v1 =	vsel vm11, $0x3000, v1;
	v2 =	vsel vm11, $0x3080, v2;
	v3 =	vsel vm11, $0x3100, v3  }
0x1f: {  	v4 =	vsel vm11, $0x3180, v4;
	v5 =	vsel vm11, $0x3200, v5;
	v6 =	vsel vm11, $0x3280, v6  }
0x20: {  	v7 =	vsel vm11, $0x3300, v7;
	v8 =	vsel vm11, $0x3380, v8;
	v9 =	vsel vm11, $0x7000, v9  }
0x21: {  	v10 =	vsel vm11, $0x7080, v10;
	v15 =	vsel vm11, $0x7180, v15;
	v16 =	vsel vm11, $0x7200, v16  }
0x22: {  	v17 =	vsel vm11, $0x7280, v17;
	v18 =	vsel vm11, $0x7300, v18;
	v19 =	vsel vm11, $0x7380, v19  }
0x23: {  	v0 =	vunpack.c.0.s8.s32 v0;
	v1 =	vsel vm10, $0x400, v1;
	v2 =	vsel vm10, $0x480, v2  }
0x24: {  	v3 =	vsel vm10, $0x500, v3;
	v4 =	vsel vm10, $0x580, v4;
	v5 =	vsel vm10, $0x600, v5  }
0x25: {  	v6 =	vsel vm10, $0x680, v6;
	v7 =	vsel vm10, $0x700, v7;
	v8 =	vsel vm10, $0x780, v8  }
0x26: {  	v9 =	vsel vm10, $0x4400, v9;
	v10 =	vsel vm10, $0x4480, v10;
	v12 =	vcombine.low v13, v12  }
0x27: {  	v15 =	vsel vm10, $0x4580, v15;
	v16 =	vsel vm10, $0x4600, v16;
	v17 =	vsel vm10, $0x4680, v17  }
0x28: {  	v18 =	vsel vm10, $0x4700, v18;
	v19 =	vsel vm10, $0x4780, v19;
	v1 =	vsel vm9, $0x1400, v1  }
0x29: {  	v2 =	vsel vm9, $0x1480, v2;
	v3 =	vsel vm9, $0x1500, v3;
	v4 =	vsel vm9, $0x1580, v4  }
0x2a: {  	v5 =	vsel vm9, $0x1600, v5;
	v6 =	vsel vm9, $0x1680, v6;
	v7 =	vsel vm9, $0x1700, v7  }
0x2b: {  	v8 =	vsel vm9, $0x1780, v8;
	v9 =	vsel vm9, $0x5400, v9;
	v10 =	vsel vm9, $0x5480, v10  }
0x2c: {  	v15 =	vsel vm9, $0x5580, v15;
	v16 =	vsel vm9, $0x5600, v16;
	v17 =	vsel vm9, $0x5680, v17  }
0x2d: {  	v18 =	vsel vm9, $0x5700, v18;
	v19 =	vsel vm9, $0x5780, v19;
	v1 =	vsel vm8, $0x2400, v1  }
0x2e: {  	v2 =	vsel vm8, $0x2480, v2;
	v0 =	vand.u32 $0x3, v0;
	v3 =	vsel vm8, $0x2500, v3  }
0x2f: {  	v4 =	vsel vm8, $0x2580, v4;
	v5 =	vsel vm8, $0x2600, v5;
	v6 =	vsel vm8, $0x2680, v6  }
0x30: {  	v7 =	vsel vm8, $0x2700, v7;
	v8 =	vsel vm8, $0x2780, v8;
	v9 =	vsel vm8, $0x6400, v9  }
0x31: {  	v10 =	vsel vm8, $0x6480, v10;
	v15 =	vsel vm8, $0x6580, v15;
	v16 =	vsel vm8, $0x6600, v16  }
0x32: {  	v17 =	vsel vm8, $0x6680, v17;
	v18 =	vsel vm8, $0x6700, v18;
	v19 =	vsel vm8, $0x6780, v19  }
0x33: {  	v1 =	vsel vm7, $0x3400, v1;
	v2 =	vsel vm7, $0x3480, v2;
	v3 =	vsel vm7, $0x3500, v3  }
0x34: {  	v4 =	vsel vm7, $0x3580, v4;
	v5 =	vsel vm7, $0x3600, v5;
	v6 =	vsel vm7, $0x3680, v6  }
0x35: {  	v7 =	vsel vm7, $0x3700, v7;
	v8 =	vsel vm7, $0x3780, v8;
	v9 =	vsel vm7, $0x7400, v9  }
0x36: {  	v10 =	vsel vm7, $0x7480, v10;
	v15 =	vsel vm7, $0x7580, v15;
	v16 =	vsel vm7, $0x7600, v16  }
0x37: {  	v17 =	vsel vm7, $0x7680, v17;
	v18 =	vsel vm7, $0x7700, v18;
	v19 =	vsel vm7, $0x7780, v19  }
0x38: {  	v1 =	vsel vm6, $0x3800, v1;
	v2 =	vsel vm6, $0x3880, v2;
	v3 =	vsel vm6, $0x3900, v3  }
0x39: {  	v4 =	vsel vm6, $0x3980, v4;
	v5 =	vsel vm6, $0x3A00, v5;
	v6 =	vsel vm6, $0x3A80, v6  }
0x3a: {  	v7 =	vsel vm6, $0x3B00, v7;
	v8 =	vsel vm6, $0x3B80, v8;
	v9 =	vsel vm6, $0x7800, v9  }
0x3b: {  	v10 =	vsel vm6, $0x7880, v10;
	v15 =	vsel vm6, $0x7980, v15;
	v16 =	vsel vm6, $0x7A00, v16  }
0x3c: {  	v17 =	vsel vm6, $0x7A80, v17;
	v18 =	vsel vm6, $0x7B00, v18;
	v19 =	vsel vm6, $0x7B80, v19  }
0x3d: {  	v1 =	vsel vm5, $0x2800, v1;
	v2 =	vsel vm5, $0x2880, v2;
	v3 =	vsel vm5, $0x2900, v3  }
0x3e: {  	v4 =	vsel vm5, $0x2980, v4;
	v5 =	vsel vm5, $0x2A00, v5;
	v6 =	vsel vm5, $0x2A80, v6  }
0x3f: {  	v7 =	vsel vm5, $0x2B00, v7;
	v8 =	vsel vm5, $0x2B80, v8;
	v9 =	vsel vm5, $0x6800, v9  }
0x40: {  	v10 =	vsel vm5, $0x6880, v10;
	v15 =	vsel vm5, $0x6980, v15;
	v16 =	vsel vm5, $0x6A00, v16  }
0x41: {  	v17 =	vsel vm5, $0x6A80, v17;
	v18 =	vsel vm5, $0x6B00, v18;
	v19 =	vsel vm5, $0x6B80, v19  }
0x42: {  	v1 =	vsel vm4, $0x1800, v1;
	v2 =	vsel vm4, $0x1880, v2;
	v3 =	vsel vm4, $0x1900, v3  }
0x43: {  	v4 =	vsel vm4, $0x1980, v4;
	v5 =	vsel vm4, $0x1A00, v5;
	v6 =	vsel vm4, $0x1A80, v6  }
0x44: {  	v7 =	vsel vm4, $0x1B00, v7;
	v8 =	vsel vm4, $0x1B80, v8;
	v9 =	vsel vm4, $0x5800, v9  }
0x45: {  	v10 =	vsel vm4, $0x5880, v10;
	v15 =	vsel vm4, $0x5980, v15;
	v16 =	vsel vm4, $0x5A00, v16  }
0x46: {  	v17 =	vsel vm4, $0x5A80, v17;
	v18 =	vsel vm4, $0x5B00, v18;
	v19 =	vsel vm4, $0x5B80, v19  }
0x47: {  	v1 =	vsel vm3, $0x800, v1;
	v2 =	vsel vm3, $0x880, v2;
	v3 =	vsel vm3, $0x900, v3  }
0x48: {  	v4 =	vsel vm3, $0x980, v4;
	v5 =	vsel vm3, $0xA00, v5;
	v6 =	vsel vm3, $0xA80, v6  }
0x49: {  	v7 =	vsel vm3, $0xB00, v7;
	v8 =	vsel vm3, $0xB80, v8;
	v13 =	vsel vm3, $0x4800, v9  }
0x4a: {  	v10 =	vsel vm3, $0x4880, v10;
	v9 =	vadd.s32 $0xF, v14;
	v15 =	vsel vm3, $0x4980, v15  }
0x4b: {  	v16 =	vsel vm3, $0x4A00, v16;
	v17 =	vsel vm3, $0x4A80, v17;
	v18 =	vsel vm3, $0x4B00, v18  }
0x4c: {  	s2 =	rddreg [dreg:$0x0];
	v19 =	vsel vm3, $0x4B80, v19;
	v1 =	vsel vm2, $0x3C00, v1;
	v2 =	vsel vm2, $0x3C80, v2  }
0x4d: {  	s6 =	rddreg [dreg:$0x1];
	v3 =	vsel vm2, $0x3D00, v3;
	v4 =	vsel vm2, $0x3D80, v4;
	v5 =	vsel vm2, $0x3E00, v5  }
0x4e: {  	s0 =	rddreg [dreg:$0x2];
	v6 =	vsel vm2, $0x3E80, v6;
	v7 =	vsel vm2, $0x3F00, v7;
	v8 =	vsel vm2, $0x3F80, v8  }
0x4f: {  	s1 =	rddreg [dreg:$0x3];
	v13 =	vsel vm2, $0x7C00, v13;
	v14 =	vsel vm2, $0x7C80, v10;
	v10 =	vand.u32 $0xF, v12  }
0x50: {  	s7 =	rddreg [dreg:$0x4];
	s4 =	srdreg.scid;
	v15 =	vsel vm2, $0x7D80, v15;
	v16 =	vsel vm2, $0x7E00, v16;
	v17 =	vsel vm2, $0x7E80, v17  }
0x51: {  	s3 =	simm.s32 $0x0;
	s20 =	stileid.u32;
	s11 =	simm.s32 $0x400;
	v12 =	vsel vm1, $0x6C00, v13;
	v13 =	vsel vm1, $0x6C80, v14;
	v14 =	vimm.s32 $0x4D00  }
0x52: {  	s12 =	simm.s32 $0x500;
	s22 =	simm.s32 $0x4500;
	s23 =	simm.s32 $0x5500;
	v18 =	vsel vm2, $0x7F00, v18;
	v19 =	vsel vm2, $0x7F80, v19;
	v14 =	vsel vm14, $0x4100, v14  }
0x53: {  	s24 =	simm.s32 $0x6500;
	s15 =	simm.s32 $0x3500;
	[smem:$0x7FF] =	sst s3;
	v1 =	vsel vm1, $0x2C00, v1;
	v2 =	vsel vm1, $0x2C80, v2;
	v14 =	vsel vm13, $0x5100, v14  }
0x54: {  	s25 =	simm.s32 $0x7500;
	_ =	strace $0x80000047;
	[dreg:$0x6] =	wrdreg s22;
	v3 =	vsel vm1, $0x2D00, v3;
	v4 =	vsel vm1, $0x2D80, v4;
	v14 =	vsel vm12, $0x6100, v14  }
0x55: {  	s16 =	simm.s32 $0x8500;
	s26 =	simm.s32 $0xC500;
	[dreg:$0x7] =	wrdreg s23;
	v5 =	vsel vm1, $0x2E00, v5;
	v6 =	vsel vm1, $0x2E80, v6;
	v14 =	vsel vm11, $0x7100, v14  }
0x56: {  	s17 =	simm.s32 $0x9500;
	s29 =	simm.s32 $0xD500;
	[dreg:$0x8] =	wrdreg s24;
	v7 =	vsel vm1, $0x2F00, v7;
	v8 =	vsel vm1, $0x2F80, v8;
	v14 =	vsel vm10, $0x4500, v14  }
0x57: {  	s18 =	simm.s32 $0xA500;
	s30 =	simm.s32 $0xE500;
	[dreg:$0x9] =	wrdreg s25;
	v15 =	vsel vm1, $0x6D80, v15;
	v16 =	vsel vm1, $0x6E00, v16;
	v14 =	vsel vm9, $0x5500, v14  }
0x58: {  	s19 =	simm.s32 $0xB500;
	s31 =	simm.s32 $0xF500;
	[dreg:$0xa] =	wrdreg s26;
	v17 =	vsel vm1, $0x6E80, v17;
	v18 =	vsel vm1, $0x6F00, v18;
	v14 =	vsel vm8, $0x6500, v14  }
0x59: {  	s28 =	simm.s32 $0x0;
	s5 =	sand.u32 $0x1, s4;
	[dreg:$0xb] =	wrdreg s29;
	v19 =	vsel vm1, $0x6F80, v19;
	v1 =	vsel vm0, $0x1C00, v1;
	v14 =	vsel vm7, $0x7500, v14  }
0x5a: {  	s10 =	sshll.u32 s20, $0x7;
	s20 =	simm.s32 $0x1;
	[dreg:$0xc] =	wrdreg s30;
	v2 =	vsel vm0, $0x1C80, v2;
	v3 =	vsel vm0, $0x1D00, v3;
	v14 =	vsel vm6, $0x7900, v14  }
0x5b: {  	s8 =	ssub.s32 $0x2, s5;
	s5 =	sshll.u32 s5, $0x6;
	[dreg:$0xd] =	wrdreg s31;
	v4 =	vsel vm0, $0x1D80, v4;
	v5 =	vsel vm0, $0x1E00, v5;
	v14 =	vsel vm5, $0x6900, v14  }
0x5c: {  	s22 =	simm.s32 $0x280;
	s23 =	simm.s32 $0x10500;
	s24 =	simm.s32 $0x10580;
	v6 =	vsel vm0, $0x1E80, v6;
	v7 =	vsel vm0, $0x1F00, v7;
	v14 =	vsel vm4, $0x5900, v14  }
0x5d: {  	s25 =	simm.s32 $0x3;
	s26 =	simm.s32 $0x4;
	s9 =	sshrl.u32 s8, $0x1;
	v8 =	vsel vm0, $0x1F80, v8;
	v12 =	vsel vm0, $0x5C00, v12;
	v14 =	vsel vm3, $0x4900, v14  }
0x5e: {  	s21 =	sor.u32 s5, s10;
	s10 =	simm.s32 $0x7A1400;
	s8 =	ssub.s32 s8, s9;
	v13 =	vsel vm0, $0x5C80, v13;
	v15 =	vsel vm0, $0x5D80, v15;
	v14 =	vsel vm2, $0x7D00, v14  }
0x5f: {  	s5 =	sadd.s32 s2, s21;
	s6 =	sadd.s32 s6, s21;
	s7 =	sadd.s32 s7, s21;
	v16 =	vsel vm0, $0x5E00, v16;
	v17 =	vsel vm0, $0x5E80, v17;
	v14 =	vsel vm1, $0x6D00, v14  }
0x60: {  	s9 =	simm.s32 $0x5;
	s21 =	simm.s32 $0x2;
	s8 =	smax.u32 s8, $0x1;
	v18 =	vsel vm0, $0x5F00, v18;
	v19 =	vsel vm0, $0x5F80, v19;
	v14 =	vsel vm0, $0x5D00, v14  }
.LBB2_1:
0x61: {  	[tilespmem:s3], [sflag:$0x5] =	stream.linear.gather [hbm4b:s5+s3], $0x200, $0x38;
	[tilespmem:$0x10780] =	vst v63  }
0x62: {  	_ =	swait.ge [sflag:s9], $0x200  }
0x63: {  	[sflag:s9] =	ssyncset.done $0x0  }
0x64: {  	[sflag:s9] =	ssyncadd.s32 $0xFFFFFE00  }
0x65: {  	[tilespmem:s22], [sflag:$0x5] =	stream.linear.gather [hbm4b:s6+s3], $0x200, $0x38;
	[tilespmem:$0x10780] =	vst v63  }
0x66: {  	_ =	swait.ge [sflag:s9], $0x200  }
0x67: {  	[sflag:s9] =	ssyncset.done $0x0  }
0x68: {  	[sflag:s9] =	ssyncadd.s32 $0xFFFFFE00  }
0x69: {  	v20 =	vld [tilespmem:$0x0];
	_ =	sdelay $0x4  }
0x6a: {  	v20 =	vand.u32 $0xFFFFFF80, v20  }
0x6b: {  	v20 =	vadd.s32 s0, v20  }
0x6c: {  	(v2sf) =	vpush v20, $0x0  }
0x6d: {  	v21 =	vld [tilespmem:$0x280]  }
0x6e: {  	(v2sf) =	vpush v20, $0x1;
	_ =	sdelay $0x1  }
0x6f: {  	(v2sf) =	vpush v20, $0x2;
	_ =	sdelay $0x1  }
0x70: {  	v21 =	vand.u32 $0xFFFFFF80, v21;
	(v2sf) =	vpush v20, $0x3  }
0x71: {  	v20 =	vadd.s32 s1, v21  }
0x72: {  	(v2sf) =	vpush v20, $0x0;
	_ =	sdelay $0x1  }
0x73: {  	(v2sf) =	vpush v20, $0x1;
	_ =	sdelay $0x1  }
0x74: {  	(v2sf) =	vpush v20, $0x2;
	_ =	sdelay $0x1  }
0x75: {  	(v2sf) =	vpush v20, $0x3  }
0x76: {  	s2 =	spop (v2sf)  }
0x77: {  	[tilespmem:s12], [sflag:$0x1] =	stream.strided.gather [hbm4b:s2+s11], $0x1000, s10, s11, $0x38;
	[tilespmem:$0x10780] =	vst v63  }
0x78: {  	s4 =	simm.s32 $0x1500;
	s14 =	spop (v2sf)  }
0x79: {  	[tilespmem:s4], [sflag:$0x1] =	stream.strided.gather [hbm4b:s14+s11], $0x1000, s10, s11, $0x38;
	[tilespmem:$0x10780] =	vst v63  }
0x7a: {  	s13 =	spop (v2sf);
	s14 =	simm.s32 $0x2500  }
0x7b: {  	[tilespmem:s14], [sflag:$0x1] =	stream.strided.gather [hbm4b:s13+s11], $0x1000, s10, s11, $0x38;
	[tilespmem:$0x10780] =	vst v63  }
0x7c: {  	s13 =	spop (v2sf)  }
0x7d: {  	[tilespmem:s15], [sflag:$0x1] =	stream.strided.gather [hbm4b:s13+s11], $0x1000, s10, s11, $0x38;
	[tilespmem:$0x10780] =	vst v63  }
0x7e: {  	s14 =	spop (v2sf)  }
0x7f: {  	[tilespmem:s16], [sflag:$0x2] =	stream.strided.gather [hbm4b:s14+s11], $0x1000, s10, s11, $0x38;
	[tilespmem:$0x10780] =	vst v63  }
0x80: {  	s4 =	spop (v2sf)  }
0x81: {  	[tilespmem:s17], [sflag:$0x2] =	stream.strided.gather [hbm4b:s4+s11], $0x1000, s10, s11, $0x38;
	[tilespmem:$0x10780] =	vst v63  }
0x82: {  	s29 =	simm.s32 $0x280;
	s13 =	spop (v2sf)  }
0x83: {  	[tilespmem:s18], [sflag:$0x2] =	stream.strided.gather [hbm4b:s13+s11], $0x1000, s10, s11, $0x38;
	[tilespmem:$0x10780] =	vst v63  }
0x84: {  	s30 =	simm.s32 $0x0;
	s31 =	simm.s32 $0x0;
	s14 =	spop (v2sf)  }
0x85: {  	[tilespmem:s19], [sflag:$0x2] =	stream.strided.gather [hbm4b:s14+s11], $0x1000, s10, s11, $0x38;
	[tilespmem:$0x10780] =	vst v63  }
.LBB2_2:
0x86: {  	v20 =	vld [tilespmem:s30+$0x0];
	_ =	sdelay $0x4  }
0x87: {  	v20 =	vand.u32 $0xFFFFFF80, v20  }
0x88: {  	v21 =	vadd.s32 s0, v20  }
0x89: {  	(v2sf) =	vpush v21, $0x4  }
0x8a: {  	v22 =	vld [tilespmem:s29+$0x0]  }
0x8b: {  	(v2sf) =	vpush v21, $0x5;
	_ =	sdelay $0x1  }
0x8c: {  	(v2sf) =	vpush v21, $0x6;
	_ =	sdelay $0x1  }
0x8d: {  	v22 =	vand.u32 $0xFFFFFF80, v22;
	(v2sf) =	vpush v21, $0x7  }
0x8e: {  	v52 =	vadd.s32 s1, v22  }
0x8f: {  	(v2sf) =	vpush v52, $0x4;
	_ =	sdelay $0x1  }
0x90: {  	(v2sf) =	vpush v52, $0x5;
	_ =	sdelay $0x1  }
0x91: {  	(v2sf) =	vpush v52, $0x6;
	_ =	sdelay $0x1  }
0x92: {  	(v2sf) =	vpush v52, $0x7  }
0x93: {  	s2 =	rddreg [dreg:$0x6];
	s4 =	spop (v2sf)  }
0x94: {  	[tilespmem:s2], [sflag:$0x3] =	stream.strided.gather [hbm4b:s4+s11], $0x1000, s10, s11, $0x38;
	[tilespmem:$0x10780] =	vst v63  }
0x95: {  	s13 =	rddreg [dreg:$0x7];
	s14 =	spop (v2sf)  }
0x96: {  	[tilespmem:s13], [sflag:$0x3] =	stream.strided.gather [hbm4b:s14+s11], $0x1000, s10, s11, $0x38;
	[tilespmem:$0x10780] =	vst v63  }
0x97: {  	s4 =	rddreg [dreg:$0x8];
	s14 =	spop (v2sf)  }
0x98: {  	[tilespmem:s4], [sflag:$0x3] =	stream.strided.gather [hbm4b:s14+s11], $0x1000, s10, s11, $0x38;
	[tilespmem:$0x10780] =	vst v63  }
0x99: {  	s13 =	rddreg [dreg:$0x9];
	s14 =	spop (v2sf)  }
0x9a: {  	[tilespmem:s13], [sflag:$0x3] =	stream.strided.gather [hbm4b:s14+s11], $0x1000, s10, s11, $0x38;
	[tilespmem:$0x10780] =	vst v63  }
0x9b: {  	s4 =	rddreg [dreg:$0xa];
	s14 =	spop (v2sf)  }
0x9c: {  	[tilespmem:s4], [sflag:$0x4] =	stream.strided.gather [hbm4b:s14+s11], $0x1000, s10, s11, $0x38;
	[tilespmem:$0x10780] =	vst v63  }
0x9d: {  	s13 =	rddreg [dreg:$0xb];
	s14 =	spop (v2sf)  }
0x9e: {  	[tilespmem:s13], [sflag:$0x4] =	stream.strided.gather [hbm4b:s14+s11], $0x1000, s10, s11, $0x38;
	[tilespmem:$0x10780] =	vst v63  }
0x9f: {  	s4 =	rddreg [dreg:$0xc];
	s13 =	spop (v2sf)  }
0xa0: {  	[tilespmem:s4], [sflag:$0x4] =	stream.strided.gather [hbm4b:s13+s11], $0x1000, s10, s11, $0x38;
	[tilespmem:$0x10780] =	vst v63  }
0xa1: {  	s14 =	rddreg [dreg:$0xd];
	s4 =	spop (v2sf)  }
0xa2: {  	[tilespmem:s14], [sflag:$0x4] =	stream.strided.gather [hbm4b:s4+s11], $0x1000, s10, s11, $0x38;
	[tilespmem:$0x10780] =	vst v63  }
0xa3: {  	_ =	swait.ge [sflag:s20], $0x1000  }
0xa4: {  	[sflag:s20] =	ssyncset.done $0x0  }
0xa5: {  	[sflag:s20] =	ssyncadd.s32 $0xFFFFF000  }
0xa6: {  	_ =	swait.ge [sflag:s21], $0x1000  }
0xa7: {  	[sflag:s21] =	ssyncset.done $0x0  }
0xa8: {  	[sflag:s21] =	ssyncadd.s32 $0xFFFFF000  }
0xa9: {  	_ =	swait.ge [sflag:s20], $0x1000  }
0xaa: {  	[sflag:s20] =	ssyncset.done $0x0  }
0xab: {  	[sflag:s20] =	ssyncadd.s32 $0xFFFFF000  }
0xac: {  	_ =	swait.ge [sflag:s21], $0x1000  }
0xad: {  	[sflag:s21] =	ssyncset.done $0x0  }
0xae: {  	[sflag:s21] =	ssyncadd.s32 $0xFFFFF000  }
0xaf: {  	_ =	swait.ge [sflag:s20], $0x1000  }
0xb0: {  	[sflag:s20] =	ssyncset.done $0x0  }
0xb1: {  	[sflag:s20] =	ssyncadd.s32 $0xFFFFF000  }
0xb2: {  	_ =	swait.ge [sflag:s21], $0x1000  }
0xb3: {  	[sflag:s21] =	ssyncset.done $0x0  }
0xb4: {  	[sflag:s21] =	ssyncadd.s32 $0xFFFFF000  }
0xb5: {  	_ =	swait.ge [sflag:s20], $0x1000  }
0xb6: {  	v53 =	vor.u32 s31, v0;
	[sflag:s20] =	ssyncset.done $0x0  }
0xb7: {  	[sflag:s20] =	ssyncadd.s32 $0xFFFFF000  }
0xb8: {  	_ =	swait.ge [sflag:s21], $0x1000  }
0xb9: {  	[sflag:s21] =	ssyncset.done $0x0  }
0xba: {  	[sflag:s21] =	ssyncadd.s32 $0xFFFFF000  }
0xbb: {  	v23 =	vld.idx.msk [tilespmem:v53+s3+$0x0], $0xffff  }
0xbc: {  	v21 =	vld.idx.msk [tilespmem:v53+s22+$0x0], $0xffff;
	_ =	sdelay $0x3  }
0xbd: {  	v23 =	vand.u32 $0x7F, v23  }
0xbe: {  	v21 =	vand.u32 $0x7F, v21;
	v24 =	vor.u32 v1, v23  }
0xbf: {  	v25 =	vor.u32 v1, v21  }
0xc0: {  	v26 =	vor.u32 v2, v23  }
0xc1: {  	v27 =	vor.u32 v2, v21  }
0xc2: {  	v28 =	vor.u32 v3, v23  }
0xc3: {  	v29 =	vor.u32 v3, v21;
	v24 =	vld.idx.msk [tilespmem:v24+s12+$0x0], $0xffff  }
0xc4: {  	v30 =	vor.u32 v4, v23;
	v25 =	vld.idx.msk [tilespmem:v25+s16+$0x0], $0xffff  }
0xc5: {  	v31 =	vor.u32 v4, v21;
	v26 =	vld.idx.msk [tilespmem:v26+s12+$0x0], $0xffff  }
0xc6: {  	v32 =	vor.u32 v5, v23;
	v27 =	vld.idx.msk [tilespmem:v27+s16+$0x0], $0xffff  }
0xc7: {  	v33 =	vor.u32 v5, v21;
	v28 =	vld.idx.msk [tilespmem:v28+s12+$0x0], $0xffff  }
0xc8: {  	v34 =	vor.u32 v6, v23;
	v29 =	vld.idx.msk [tilespmem:v29+s16+$0x0], $0xffff  }
0xc9: {  	v55 =	vor.u32 v6, v21;
	v54 =	vld.idx.msk [tilespmem:v30+s12+$0x0], $0xffff;
	v24 =	vmul.f32 v25, v24  }
0xca: {  	v35 =	vor.u32 v7, v23;
	v31 =	vld.idx.msk [tilespmem:v31+s16+$0x0], $0xffff  }
0xcb: {  	v57 =	vor.u32 v7, v21;
	v56 =	vld.idx.msk [tilespmem:v32+s12+$0x0], $0xffff;
	v26 =	vmul.f32 v27, v26;
	v24 =	vadd.f32 $0.0e+00, v24  }
0xcc: {  	v23 =	vor.u32 v8, v23;
	v33 =	vld.idx.msk [tilespmem:v33+s16+$0x0], $0xffff  }
0xcd: {  	v21 =	vor.u32 v8, v21;
	v59 =	vld.idx.msk [tilespmem:v34+s12+$0x0], $0xffff;
	v58 =	vmul.f32 v29, v28;
	v24 =	vadd.f32 v26, v24  }
0xce: {  	v60 =	vld.idx.msk [tilespmem:v55+s16+$0x0], $0xffff  }
0xcf: {  	v61 =	vld.idx.msk [tilespmem:v35+s12+$0x0], $0xffff;
	v25 =	vmul.f32 v31, v54;
	v24 =	vadd.f32 v58, v24  }
0xd0: {  	v62 =	vld.idx.msk [tilespmem:v57+s16+$0x0], $0xffff  }
0xd1: {  	v23 =	vld.idx.msk [tilespmem:v23+s12+$0x0], $0xffff;
	v63 =	vmul.f32 v33, v56;
	v24 =	vadd.f32 v25, v24  }
0xd2: {  	v21 =	vld.idx.msk [tilespmem:v21+s16+$0x0], $0xffff  }
0xd3: {  	v31 =	vmul.f32 v60, v59;
	v24 =	vadd.f32 v63, v24;
	_ =	sdelay $0x1  }
0xd4: {  	p0 =	seq.s32 s31, $0x1F8;
	v32 =	vmul.f32 v62, v61;
	v24 =	vadd.f32 v31, v24  }
0xd5: {  	v20 =	vadd.s32 @!p0 s0, v20  }
0xd6: {  	(v2sf) =	vpush @!p0 v20, $0x8;
	v21 =	vmul.f32 v21, v23;
	v24 =	vadd.f32 v32, v24;
	_ =	sdelay $0x1  }
0xd7: {  	v21 =	vadd.f32 v21, v24  }
0xd8: {  	(v2sf) =	vpush @!p0 v20, $0x9  }
0xd9: {  	v33 =	vperm.xlane v21, v9  }
0xda: {  	(v2sf) =	vpush @!p0 v20, $0xA  }
0xdb: {  	v21 =	vadd.f32 v21, v33  }
0xdc: {  	(v2sf) =	vpush @!p0 v20, $0xB  }
0xdd: {  	v20 =	vadd.s32 @!p0 s1, v22;
	[tilespmem:$0x10500] =	vst v21  }
0xde: {  	(v2sf) =	vpush @!p0 v20, $0x8;
	v34 =	vld.idx.msk [tilespmem:v10+s23+$0x0], $0xffff;
	_ =	sdelay $0x1  }
0xdf: {  	(v2sf) =	vpush @!p0 v20, $0x9;
	v35 =	vor.u32 s31, v11;
	_ =	sdelay $0x1  }
0xe0: {  	(v2sf) =	vpush @!p0 v20, $0xA  }
0xe1: {  	v21 =	vadd.f32 v34, v21  }
0xe2: {  	s2 =	spop @!p0 (v2sf);
	(v2sf) =	vpush @!p0 v20, $0xB  }
0xe3: {  	s13 =	simm.s32 @!p0 $0x7A1400;
	s4 =	simm.s32 @!p0 $0x400;
	s14 =	simm.s32 @!p0 $0x500;
	[tilespmem:v35+s24+$0x0] =	vst.idx.msk $0xf, v21  }
0xe4: {  	[tilespmem:s14], [sflag:$0x1] =	stream.strided.gather @!p0 [hbm4b:s2+s4], $0x1000, s13, s4, $0x38;
	[tilespmem:$0x10780] =	vst v63  }
0xe5: {  	s2 =	spop @!p0 (v2sf);
	s14 =	simm.s32 @!p0 $0x1500  }
0xe6: {  	[tilespmem:s14], [sflag:$0x1] =	stream.strided.gather @!p0 [hbm4b:s2+s4], $0x1000, s13, s4, $0x38;
	[tilespmem:$0x10780] =	vst v63  }
0xe7: {  	s2 =	spop @!p0 (v2sf);
	s14 =	simm.s32 @!p0 $0x2500  }
0xe8: {  	[tilespmem:s14], [sflag:$0x1] =	stream.strided.gather @!p0 [hbm4b:s2+s4], $0x1000, s13, s4, $0x38;
	[tilespmem:$0x10780] =	vst v63  }
0xe9: {  	s2 =	spop @!p0 (v2sf);
	s14 =	simm.s32 @!p0 $0x3500  }
0xea: {  	[tilespmem:s14], [sflag:$0x1] =	stream.strided.gather @!p0 [hbm4b:s2+s4], $0x1000, s13, s4, $0x38;
	[tilespmem:$0x10780] =	vst v63  }
0xeb: {  	s2 =	spop @!p0 (v2sf);
	s14 =	simm.s32 @!p0 $0x8500  }
0xec: {  	[tilespmem:s14], [sflag:$0x2] =	stream.strided.gather @!p0 [hbm4b:s2+s4], $0x1000, s13, s4, $0x38;
	[tilespmem:$0x10780] =	vst v63  }
0xed: {  	s2 =	spop @!p0 (v2sf);
	s14 =	simm.s32 @!p0 $0x9500  }
0xee: {  	[tilespmem:s14], [sflag:$0x2] =	stream.strided.gather @!p0 [hbm4b:s2+s4], $0x1000, s13, s4, $0x38;
	[tilespmem:$0x10780] =	vst v63  }
0xef: {  	s2 =	spop @!p0 (v2sf);
	s14 =	simm.s32 @!p0 $0xA500  }
0xf0: {  	[tilespmem:s14], [sflag:$0x2] =	stream.strided.gather @!p0 [hbm4b:s2+s4], $0x1000, s13, s4, $0x38;
	[tilespmem:$0x10780] =	vst v63  }
0xf1: {  	s2 =	spop @!p0 (v2sf);
	s14 =	simm.s32 @!p0 $0xB500  }
0xf2: {  	[tilespmem:s14], [sflag:$0x2] =	stream.strided.gather @!p0 [hbm4b:s2+s4], $0x1000, s13, s4, $0x38;
	[tilespmem:$0x10780] =	vst v63  }
0xf3: {  	_ =	swait.ge [sflag:s25], $0x1000  }
0xf4: {  	[sflag:s25] =	ssyncset.done $0x0  }
0xf5: {  	[sflag:s25] =	ssyncadd.s32 $0xFFFFF000  }
0xf6: {  	_ =	swait.ge [sflag:s26], $0x1000  }
0xf7: {  	[sflag:s26] =	ssyncset.done $0x0  }
0xf8: {  	[sflag:s26] =	ssyncadd.s32 $0xFFFFF000  }
0xf9: {  	_ =	swait.ge [sflag:s25], $0x1000  }
0xfa: {  	[sflag:s25] =	ssyncset.done $0x0  }
0xfb: {  	[sflag:s25] =	ssyncadd.s32 $0xFFFFF000  }
0xfc: {  	_ =	swait.ge [sflag:s26], $0x1000  }
0xfd: {  	[sflag:s26] =	ssyncset.done $0x0  }
0xfe: {  	[sflag:s26] =	ssyncadd.s32 $0xFFFFF000  }
0xff: {  	_ =	swait.ge [sflag:s25], $0x1000  }
0x100: {  	[sflag:s25] =	ssyncset.done $0x0  }
0x101: {  	[sflag:s25] =	ssyncadd.s32 $0xFFFFF000  }
0x102: {  	_ =	swait.ge [sflag:s26], $0x1000  }
0x103: {  	[sflag:s26] =	ssyncset.done $0x0  }
0x104: {  	[sflag:s26] =	ssyncadd.s32 $0xFFFFF000  }
0x105: {  	s14 =	sadd.s32 $0x4, s31;
	_ =	swait.ge [sflag:s25], $0x1000  }
0x106: {  	v20 =	vor.u32 s14, v0;
	[sflag:s25] =	ssyncset.done $0x0  }
0x107: {  	[sflag:s25] =	ssyncadd.s32 $0xFFFFF000  }
0x108: {  	_ =	swait.ge [sflag:s26], $0x1000  }
0x109: {  	[sflag:s26] =	ssyncset.done $0x0  }
0x10a: {  	[sflag:s26] =	ssyncadd.s32 $0xFFFFF000  }
0x10b: {  	v36 =	vld.idx.msk [tilespmem:v20+s3+$0x0], $0xffff  }
0x10c: {  	v20 =	vld.idx.msk [tilespmem:v20+s22+$0x0], $0xffff;
	_ =	sdelay $0x3  }
0x10d: {  	v21 =	vand.u32 $0x7F, v36  }
0x10e: {  	v20 =	vand.u32 $0x7F, v20;
	v37 =	vor.u32 v12, v21  }
0x10f: {  	v38 =	vor.u32 v12, v20  }
0x110: {  	v39 =	vor.u32 v13, v21  }
0x111: {  	v40 =	vor.u32 v13, v20  }
0x112: {  	v41 =	vor.u32 v14, v21  }
0x113: {  	v42 =	vor.u32 v14, v20;
	v22 =	vld.idx.msk [tilespmem:v37+s12+$0x0], $0xffff  }
0x114: {  	v43 =	vor.u32 v15, v21;
	v23 =	vld.idx.msk [tilespmem:v38+s16+$0x0], $0xffff  }
0x115: {  	v44 =	vor.u32 v15, v20;
	v24 =	vld.idx.msk [tilespmem:v39+s12+$0x0], $0xffff  }
0x116: {  	v45 =	vor.u32 v16, v21;
	v25 =	vld.idx.msk [tilespmem:v40+s16+$0x0], $0xffff  }
0x117: {  	v46 =	vor.u32 v16, v20;
	v26 =	vld.idx.msk [tilespmem:v41+s12+$0x0], $0xffff  }
0x118: {  	v47 =	vor.u32 v17, v21;
	v27 =	vld.idx.msk [tilespmem:v42+s16+$0x0], $0xffff  }
0x119: {  	v49 =	vor.u32 v17, v20;
	v48 =	vld.idx.msk [tilespmem:v43+s12+$0x0], $0xffff;
	v22 =	vmul.f32 v23, v22  }
0x11a: {  	v50 =	vor.u32 v18, v21;
	v29 =	vld.idx.msk [tilespmem:v44+s16+$0x0], $0xffff  }
0x11b: {  	v52 =	vor.u32 v18, v20;
	v51 =	vld.idx.msk [tilespmem:v45+s12+$0x0], $0xffff;
	v24 =	vmul.f32 v25, v24;
	v22 =	vadd.f32 $0.0e+00, v22  }
0x11c: {  	v21 =	vor.u32 v19, v21;
	v31 =	vld.idx.msk [tilespmem:v46+s16+$0x0], $0xffff  }
0x11d: {  	v20 =	vor.u32 v19, v20;
	v54 =	vld.idx.msk [tilespmem:v47+s12+$0x0], $0xffff;
	v53 =	vmul.f32 v27, v26;
	v22 =	vadd.f32 v24, v22  }
0x11e: {  	v55 =	vld.idx.msk [tilespmem:v49+s16+$0x0], $0xffff  }
0x11f: {  	v56 =	vld.idx.msk [tilespmem:v50+s12+$0x0], $0xffff;
	v23 =	vmul.f32 v29, v48;
	v22 =	vadd.f32 v53, v22  }
0x120: {  	v57 =	vld.idx.msk [tilespmem:v52+s16+$0x0], $0xffff  }
0x121: {  	v21 =	vld.idx.msk [tilespmem:v21+s12+$0x0], $0xffff;
	v58 =	vmul.f32 v31, v51;
	v22 =	vadd.f32 v23, v22  }
0x122: {  	v20 =	vld.idx.msk [tilespmem:v20+s16+$0x0], $0xffff  }
0x123: {  	v59 =	vmul.f32 v55, v54;
	v22 =	vadd.f32 v58, v22;
	_ =	sdelay $0x1  }
0x124: {  	v60 =	vmul.f32 v57, v56;
	v22 =	vadd.f32 v59, v22;
	_ =	sdelay $0x1  }
0x125: {  	v20 =	vmul.f32 v20, v21;
	v22 =	vadd.f32 v60, v22;
	_ =	sdelay $0x1  }
0x126: {  	v20 =	vadd.f32 v20, v22;
	_ =	sdelay $0x1  }
0x127: {  	v61 =	vperm.xlane v20, v9;
	_ =	sdelay $0x1  }
0x128: {  	v20 =	vadd.f32 v20, v61;
	_ =	sdelay $0x1  }
0x129: {  	[tilespmem:$0x10500] =	vst v20  }
0x12a: {  	v62 =	vld.idx.msk [tilespmem:v10+s23+$0x0], $0xffff  }
0x12b: {  	s31 =	sadd.s32 $0x8, s31  }
0x12c: {  	v63 =	vor.u32 s14, v11;
	p0 =	sne.s32 s31, $0x200  }
.Ltmp0:
0x12d: {  	_ = 	snop;
	(pc) =	sbr.rel @p0 .LBB2_2-.Ltmp0, $3  }
0x12e: {  	_ = 	snop  }
0x12f: {  	v20 =	vadd.f32 v62, v20;
	_ =	sdelay $0x1  }
0x130: {  	s30 =	sadd.s32 $0x8, s30;
	s29 =	sadd.s32 $0x8, s29;
	[tilespmem:v63+s24+$0x0] =	vst.idx.msk $0xf, v20  }
0x131: {  	v20 =	vld [tilespmem:$0x10580];
	_ =	sdelay $0x4  }
0x132: {  	v20 =	vsub.f32 $0.0e+00, v20;
	_ =	sdelay $0x1  }
0x133: {  	v20 =	vmul.f32 $1.442695020e+00, v20;
	_ =	sdelay $0x1  }
0x134: {  	(erf) = vpow2.f32 v20;
	_ =	sdelay $0x3  }
0x135: {  	v20 =	vld [tilespmem:$0x10590];
	_ =	sdelay $0x4  }
0x136: {  	v20 =	vsub.f32 $0.0e+00, v20;
	v21 =	vpop (erf)  }
0x137: {  	v21 =	vadd.f32 $1.000000000e+00, v21  }
0x138: {  	v20 =	vmul.f32 $1.442695020e+00, v20  }
0x139: {  	(erf) = vrcp.f32 v21  }
0x13a: {  	(erf) = vpow2.f32 v20;
	_ =	sdelay $0x3  }
0x13b: {  	v47 =	vld [tilespmem:$0x105A0];
	_ =	sdelay $0x3  }
0x13c: {  	v20 =	vpop (erf)  }
0x13d: {  	v21 =	vsub.f32 $0.0e+00, v47;
	v22 =	vpop (erf)  }
0x13e: {  	v22 =	vadd.f32 $1.000000000e+00, v22  }
0x13f: {  	v21 =	vmul.f32 $1.442695020e+00, v21  }
0x140: {  	(erf) = vrcp.f32 v22  }
0x141: {  	(erf) = vpow2.f32 v21;
	_ =	sdelay $0x3  }
0x142: {  	v48 =	vld [tilespmem:$0x105B0];
	_ =	sdelay $0x3  }
0x143: {  	v21 =	vpop (erf)  }
0x144: {  	v22 =	vsub.f32 $0.0e+00, v48;
	v23 =	vpop (erf)  }
0x145: {  	v23 =	vadd.f32 $1.000000000e+00, v23  }
0x146: {  	v22 =	vmul.f32 $1.442695020e+00, v22  }
0x147: {  	(erf) = vrcp.f32 v23  }
0x148: {  	(erf) = vpow2.f32 v22;
	_ =	sdelay $0x3  }
0x149: {  	v49 =	vld [tilespmem:$0x105C0];
	_ =	sdelay $0x3  }
0x14a: {  	v22 =	vpop (erf)  }
0x14b: {  	v23 =	vsub.f32 $0.0e+00, v49;
	v24 =	vpop (erf)  }
0x14c: {  	v24 =	vadd.f32 $1.000000000e+00, v24  }
0x14d: {  	v23 =	vmul.f32 $1.442695020e+00, v23  }
0x14e: {  	(erf) = vrcp.f32 v24  }
0x14f: {  	(erf) = vpow2.f32 v23;
	_ =	sdelay $0x3  }
0x150: {  	v50 =	vld [tilespmem:$0x105D0];
	_ =	sdelay $0x3  }
0x151: {  	v23 =	vpop (erf)  }
0x152: {  	v24 =	vsub.f32 $0.0e+00, v50;
	v25 =	vpop (erf)  }
0x153: {  	v25 =	vadd.f32 $1.000000000e+00, v25  }
0x154: {  	v24 =	vmul.f32 $1.442695020e+00, v24  }
0x155: {  	(erf) = vrcp.f32 v25  }
0x156: {  	(erf) = vpow2.f32 v24;
	_ =	sdelay $0x3  }
0x157: {  	v51 =	vld [tilespmem:$0x105E0];
	_ =	sdelay $0x3  }
0x158: {  	v24 =	vpop (erf)  }
0x159: {  	v25 =	vsub.f32 $0.0e+00, v51;
	v26 =	vpop (erf)  }
0x15a: {  	v26 =	vadd.f32 $1.000000000e+00, v26  }
0x15b: {  	v25 =	vmul.f32 $1.442695020e+00, v25  }
0x15c: {  	(erf) = vrcp.f32 v26  }
0x15d: {  	(erf) = vpow2.f32 v25;
	_ =	sdelay $0x3  }
0x15e: {  	v52 =	vld [tilespmem:$0x105F0];
	_ =	sdelay $0x3  }
0x15f: {  	v25 =	vpop (erf)  }
0x160: {  	v26 =	vsub.f32 $0.0e+00, v52;
	v27 =	vpop (erf)  }
0x161: {  	v27 =	vadd.f32 $1.000000000e+00, v27  }
0x162: {  	v26 =	vmul.f32 $1.442695020e+00, v26  }
0x163: {  	(erf) = vrcp.f32 v27  }
0x164: {  	(erf) = vpow2.f32 v26;
	_ =	sdelay $0x3  }
0x165: {  	v53 =	vld [tilespmem:$0x10600];
	_ =	sdelay $0x3  }
0x166: {  	v26 =	vpop (erf)  }
0x167: {  	v27 =	vsub.f32 $0.0e+00, v53;
	v28 =	vpop (erf)  }
0x168: {  	v28 =	vadd.f32 $1.000000000e+00, v28  }
0x169: {  	v27 =	vmul.f32 $1.442695020e+00, v27  }
0x16a: {  	(erf) = vrcp.f32 v28  }
0x16b: {  	(erf) = vpow2.f32 v27;
	_ =	sdelay $0x3  }
0x16c: {  	v54 =	vld [tilespmem:$0x10610];
	_ =	sdelay $0x3  }
0x16d: {  	v27 =	vpop (erf)  }
0x16e: {  	v28 =	vsub.f32 $0.0e+00, v54;
	v29 =	vpop (erf)  }
0x16f: {  	v29 =	vadd.f32 $1.000000000e+00, v29  }
0x170: {  	v28 =	vmul.f32 $1.442695020e+00, v28  }
0x171: {  	(erf) = vrcp.f32 v29  }
0x172: {  	(erf) = vpow2.f32 v28;
	_ =	sdelay $0x3  }
0x173: {  	v55 =	vld [tilespmem:$0x10620];
	_ =	sdelay $0x3  }
0x174: {  	v28 =	vpop (erf)  }
0x175: {  	v29 =	vsub.f32 $0.0e+00, v55;
	v30 =	vpop (erf)  }
0x176: {  	v30 =	vadd.f32 $1.000000000e+00, v30  }
0x177: {  	v29 =	vmul.f32 $1.442695020e+00, v29  }
0x178: {  	(erf) = vrcp.f32 v30  }
0x179: {  	(erf) = vpow2.f32 v29;
	_ =	sdelay $0x3  }
0x17a: {  	v56 =	vld [tilespmem:$0x10630];
	_ =	sdelay $0x3  }
0x17b: {  	v29 =	vpop (erf)  }
0x17c: {  	v30 =	vsub.f32 $0.0e+00, v56;
	v31 =	vpop (erf)  }
0x17d: {  	v31 =	vadd.f32 $1.000000000e+00, v31  }
0x17e: {  	v30 =	vmul.f32 $1.442695020e+00, v30  }
0x17f: {  	(erf) = vrcp.f32 v31  }
0x180: {  	(erf) = vpow2.f32 v30;
	_ =	sdelay $0x3  }
0x181: {  	v57 =	vld [tilespmem:$0x10640];
	_ =	sdelay $0x3  }
0x182: {  	v30 =	vpop (erf)  }
0x183: {  	v31 =	vsub.f32 $0.0e+00, v57;
	v32 =	vpop (erf)  }
0x184: {  	v32 =	vadd.f32 $1.000000000e+00, v32  }
0x185: {  	v31 =	vmul.f32 $1.442695020e+00, v31  }
0x186: {  	(erf) = vrcp.f32 v32  }
0x187: {  	(erf) = vpow2.f32 v31;
	_ =	sdelay $0x3  }
0x188: {  	v58 =	vld [tilespmem:$0x10650];
	_ =	sdelay $0x3  }
0x189: {  	v31 =	vpop (erf)  }
0x18a: {  	v32 =	vsub.f32 $0.0e+00, v58;
	v33 =	vpop (erf)  }
0x18b: {  	v33 =	vadd.f32 $1.000000000e+00, v33  }
0x18c: {  	v32 =	vmul.f32 $1.442695020e+00, v32  }
0x18d: {  	(erf) = vrcp.f32 v33  }
0x18e: {  	(erf) = vpow2.f32 v32;
	_ =	sdelay $0x3  }
0x18f: {  	v59 =	vld [tilespmem:$0x10660];
	_ =	sdelay $0x3  }
0x190: {  	v32 =	vpop (erf)  }
0x191: {  	v33 =	vsub.f32 $0.0e+00, v59;
	v34 =	vpop (erf)  }
0x192: {  	v34 =	vadd.f32 $1.000000000e+00, v34  }
0x193: {  	v33 =	vmul.f32 $1.442695020e+00, v33  }
0x194: {  	(erf) = vrcp.f32 v34  }
0x195: {  	(erf) = vpow2.f32 v33;
	_ =	sdelay $0x3  }
0x196: {  	v60 =	vld [tilespmem:$0x10670];
	_ =	sdelay $0x3  }
0x197: {  	v33 =	vpop (erf)  }
0x198: {  	v34 =	vsub.f32 $0.0e+00, v60;
	v35 =	vpop (erf)  }
0x199: {  	v35 =	vadd.f32 $1.000000000e+00, v35  }
0x19a: {  	v34 =	vmul.f32 $1.442695020e+00, v34  }
0x19b: {  	(erf) = vrcp.f32 v35  }
0x19c: {  	(erf) = vpow2.f32 v34;
	_ =	sdelay $0x3  }
0x19d: {  	v61 =	vld [tilespmem:$0x10680];
	_ =	sdelay $0x3  }
0x19e: {  	v34 =	vpop (erf)  }
0x19f: {  	v35 =	vsub.f32 $0.0e+00, v61;
	v36 =	vpop (erf)  }
0x1a0: {  	v36 =	vadd.f32 $1.000000000e+00, v36  }
0x1a1: {  	v35 =	vmul.f32 $1.442695020e+00, v35  }
0x1a2: {  	(erf) = vrcp.f32 v36  }
0x1a3: {  	(erf) = vpow2.f32 v35;
	_ =	sdelay $0x3  }
0x1a4: {  	v62 =	vld [tilespmem:$0x10690];
	_ =	sdelay $0x3  }
0x1a5: {  	v63 =	vpop (erf)  }
0x1a6: {  	v36 =	vsub.f32 $0.0e+00, v62;
	v37 =	vpop (erf)  }
0x1a7: {  	v37 =	vadd.f32 $1.000000000e+00, v37  }
0x1a8: {  	v36 =	vmul.f32 $1.442695020e+00, v36  }
0x1a9: {  	(erf) = vrcp.f32 v37  }
0x1aa: {  	(erf) = vpow2.f32 v36;
	_ =	sdelay $0x3  }
0x1ab: {  	v48 =	vld [tilespmem:$0x106A0];
	_ =	sdelay $0x3  }
0x1ac: {  	v37 =	vpop (erf)  }
0x1ad: {  	v36 =	vsub.f32 $0.0e+00, v48;
	v38 =	vpop (erf)  }
0x1ae: {  	v38 =	vadd.f32 $1.000000000e+00, v38  }
0x1af: {  	v36 =	vmul.f32 $1.442695020e+00, v36  }
0x1b0: {  	(erf) = vrcp.f32 v38  }
0x1b1: {  	(erf) = vpow2.f32 v36;
	_ =	sdelay $0x3  }
0x1b2: {  	v49 =	vld [tilespmem:$0x106B0];
	_ =	sdelay $0x3  }
0x1b3: {  	v38 =	vpop (erf)  }
0x1b4: {  	v36 =	vsub.f32 $0.0e+00, v49;
	v39 =	vpop (erf)  }
0x1b5: {  	v39 =	vadd.f32 $1.000000000e+00, v39  }
0x1b6: {  	v36 =	vmul.f32 $1.442695020e+00, v36  }
0x1b7: {  	(erf) = vrcp.f32 v39  }
0x1b8: {  	(erf) = vpow2.f32 v36;
	_ =	sdelay $0x3  }
0x1b9: {  	v50 =	vld [tilespmem:$0x106C0];
	_ =	sdelay $0x3  }
0x1ba: {  	v39 =	vpop (erf)  }
0x1bb: {  	v36 =	vsub.f32 $0.0e+00, v50;
	v40 =	vpop (erf)  }
0x1bc: {  	v40 =	vadd.f32 $1.000000000e+00, v40  }
0x1bd: {  	v36 =	vmul.f32 $1.442695020e+00, v36  }
0x1be: {  	(erf) = vrcp.f32 v40  }
0x1bf: {  	(erf) = vpow2.f32 v36;
	_ =	sdelay $0x3  }
0x1c0: {  	v51 =	vld [tilespmem:$0x106D0];
	_ =	sdelay $0x3  }
0x1c1: {  	v40 =	vpop (erf)  }
0x1c2: {  	v36 =	vsub.f32 $0.0e+00, v51;
	v41 =	vpop (erf)  }
0x1c3: {  	v41 =	vadd.f32 $1.000000000e+00, v41  }
0x1c4: {  	v36 =	vmul.f32 $1.442695020e+00, v36  }
0x1c5: {  	(erf) = vrcp.f32 v41  }
0x1c6: {  	(erf) = vpow2.f32 v36;
	_ =	sdelay $0x3  }
0x1c7: {  	v52 =	vld [tilespmem:$0x106E0];
	_ =	sdelay $0x3  }
0x1c8: {  	v41 =	vpop (erf)  }
0x1c9: {  	v36 =	vsub.f32 $0.0e+00, v52;
	v42 =	vpop (erf)  }
0x1ca: {  	v42 =	vadd.f32 $1.000000000e+00, v42  }
0x1cb: {  	v36 =	vmul.f32 $1.442695020e+00, v36  }
0x1cc: {  	(erf) = vrcp.f32 v42  }
0x1cd: {  	(erf) = vpow2.f32 v36;
	_ =	sdelay $0x3  }
0x1ce: {  	v53 =	vld [tilespmem:$0x106F0];
	_ =	sdelay $0x3  }
0x1cf: {  	v42 =	vpop (erf)  }
0x1d0: {  	v36 =	vsub.f32 $0.0e+00, v53;
	v43 =	vpop (erf)  }
0x1d1: {  	v43 =	vadd.f32 $1.000000000e+00, v43  }
0x1d2: {  	v36 =	vmul.f32 $1.442695020e+00, v36  }
0x1d3: {  	(erf) = vrcp.f32 v43  }
0x1d4: {  	(erf) = vpow2.f32 v36;
	_ =	sdelay $0x3  }
0x1d5: {  	v54 =	vld [tilespmem:$0x10700];
	_ =	sdelay $0x3  }
0x1d6: {  	v43 =	vpop (erf)  }
0x1d7: {  	v36 =	vsub.f32 $0.0e+00, v54;
	v44 =	vpop (erf)  }
0x1d8: {  	v44 =	vadd.f32 $1.000000000e+00, v44  }
0x1d9: {  	v36 =	vmul.f32 $1.442695020e+00, v36  }
0x1da: {  	(erf) = vrcp.f32 v44  }
0x1db: {  	(erf) = vpow2.f32 v36;
	_ =	sdelay $0x3  }
0x1dc: {  	v55 =	vld [tilespmem:$0x10710];
	_ =	sdelay $0x3  }
0x1dd: {  	v44 =	vpop (erf)  }
0x1de: {  	v36 =	vsub.f32 $0.0e+00, v55;
	v45 =	vpop (erf)  }
0x1df: {  	v45 =	vadd.f32 $1.000000000e+00, v45  }
0x1e0: {  	v36 =	vmul.f32 $1.442695020e+00, v36  }
0x1e1: {  	(erf) = vrcp.f32 v45  }
0x1e2: {  	(erf) = vpow2.f32 v36;
	_ =	sdelay $0x3  }
0x1e3: {  	v56 =	vld [tilespmem:$0x10720];
	_ =	sdelay $0x3  }
0x1e4: {  	v45 =	vpop (erf)  }
0x1e5: {  	v36 =	vsub.f32 $0.0e+00, v56;
	v46 =	vpop (erf)  }
0x1e6: {  	v46 =	vadd.f32 $1.000000000e+00, v46  }
0x1e7: {  	v36 =	vmul.f32 $1.442695020e+00, v36  }
0x1e8: {  	(erf) = vrcp.f32 v46  }
0x1e9: {  	(erf) = vpow2.f32 v36;
	_ =	sdelay $0x3  }
0x1ea: {  	v57 =	vld [tilespmem:$0x10730];
	_ =	sdelay $0x3  }
0x1eb: {  	v46 =	vpop (erf)  }
0x1ec: {  	v36 =	vsub.f32 $0.0e+00, v57;
	v47 =	vpop (erf)  }
0x1ed: {  	v47 =	vadd.f32 $1.000000000e+00, v47  }
0x1ee: {  	v36 =	vmul.f32 $1.442695020e+00, v36  }
0x1ef: {  	(erf) = vrcp.f32 v47  }
0x1f0: {  	(erf) = vpow2.f32 v36;
	_ =	sdelay $0x3  }
0x1f1: {  	v58 =	vld [tilespmem:$0x10740];
	_ =	sdelay $0x3  }
0x1f2: {  	v47 =	vpop (erf)  }
0x1f3: {  	v36 =	vsub.f32 $0.0e+00, v58;
	v48 =	vpop (erf)  }
0x1f4: {  	v48 =	vadd.f32 $1.000000000e+00, v48  }
0x1f5: {  	v36 =	vmul.f32 $1.442695020e+00, v36  }
0x1f6: {  	(erf) = vrcp.f32 v48  }
0x1f7: {  	(erf) = vpow2.f32 v36;
	_ =	sdelay $0x3  }
0x1f8: {  	v59 =	vld [tilespmem:$0x10750];
	_ =	sdelay $0x3  }
0x1f9: {  	v48 =	vpop (erf)  }
0x1fa: {  	v36 =	vsub.f32 $0.0e+00, v59;
	v49 =	vpop (erf)  }
0x1fb: {  	v49 =	vadd.f32 $1.000000000e+00, v49  }
0x1fc: {  	v36 =	vmul.f32 $1.442695020e+00, v36  }
0x1fd: {  	(erf) = vrcp.f32 v49  }
0x1fe: {  	(erf) = vpow2.f32 v36;
	_ =	sdelay $0x3  }
0x1ff: {  	v60 =	vld [tilespmem:$0x10760];
	_ =	sdelay $0x3  }
0x200: {  	v49 =	vpop (erf)  }
0x201: {  	v36 =	vsub.f32 $0.0e+00, v60;
	v50 =	vpop (erf)  }
0x202: {  	v50 =	vadd.f32 $1.000000000e+00, v50  }
0x203: {  	v36 =	vmul.f32 $1.442695020e+00, v36  }
0x204: {  	(erf) = vrcp.f32 v50  }
0x205: {  	(erf) = vpow2.f32 v36;
	_ =	sdelay $0x3  }
0x206: {  	[tilespmem:$0x10580] =	vst v20;
	v20 =	vld [tilespmem:$0x10770]  }
0x207: {  	[tilespmem:$0x10590] =	vst v21  }
0x208: {  	[tilespmem:$0x105A0] =	vst v22  }
0x209: {  	[tilespmem:$0x105B0] =	vst v23  }
0x20a: {  	[tilespmem:$0x105C0] =	vst v24;
	v61 =	vpop (erf)  }
0x20b: {  	v20 =	vsub.f32 $0.0e+00, v20;
	[tilespmem:$0x105D0] =	vst v25;
	v62 =	vpop (erf)  }
0x20c: {  	[tilespmem:$0x105E0] =	vst v26;
	v22 =	vadd.f32 $1.000000000e+00, v62  }
0x20d: {  	v20 =	vmul.f32 $1.442695020e+00, v20;
	[tilespmem:$0x105F0] =	vst v27  }
0x20e: {  	[tilespmem:$0x10600] =	vst v28;
	(erf) = vrcp.f32 v22  }
0x20f: {  	[tilespmem:$0x10610] =	vst v29;
	(erf) = vpow2.f32 v20  }
0x210: {  	[tilespmem:$0x10620] =	vst v30  }
0x211: {  	[tilespmem:$0x10630] =	vst v31  }
0x212: {  	[tilespmem:$0x10640] =	vst v32  }
0x213: {  	[tilespmem:$0x10650] =	vst v33  }
0x214: {  	[tilespmem:$0x10660] =	vst v34  }
0x215: {  	[tilespmem:$0x10670] =	vst v63  }
0x216: {  	[tilespmem:$0x10680] =	vst v37  }
0x217: {  	[tilespmem:$0x10690] =	vst v38;
	v20 =	vpop (erf)  }
0x218: {  	[tilespmem:$0x106A0] =	vst v39;
	v63 =	vpop (erf)  }
0x219: {  	[tilespmem:$0x106B0] =	vst v40;
	v22 =	vadd.f32 $1.000000000e+00, v63  }
0x21a: {  	[tilespmem:$0x106C0] =	vst v41  }
0x21b: {  	[tilespmem:$0x106D0] =	vst v42;
	(erf) = vrcp.f32 v22  }
0x21c: {  	[tilespmem:$0x106E0] =	vst v43  }
0x21d: {  	[tilespmem:$0x106F0] =	vst v44  }
0x21e: {  	[tilespmem:$0x10700] =	vst v45  }
0x21f: {  	[tilespmem:$0x10710] =	vst v46  }
0x220: {  	[tilespmem:$0x10720] =	vst v47  }
0x221: {  	[tilespmem:$0x10730] =	vst v48  }
0x222: {  	[tilespmem:$0x10740] =	vst v49  }
0x223: {  	s28 =	sadd.s32 $0x1, s28;
	[tilespmem:$0x10750] =	vst v61  }
0x224: {  	p0 =	sne.s32 s28, s8;
	[tilespmem:$0x10760] =	vst v20;
	v20 =	vpop (erf)  }
.Ltmp1:
0x225: {  	[tilespmem:$0x10770] =	vst v20;
	(pc) =	sbr.rel @p0 .LBB2_1-.Ltmp1, $4  }
0x226: {  	[hbm4b:s7+s3] =	stream.linear.scatter [tilespmem:s24], [sflag:$0x5], $0x200, $0x38;
	[tilespmem:$0x10780] =	vst v63  }
0x227: {  	_ =	swait.ge [sflag:s9], $0x200  }
0x228: {  	[sflag:s9] =	ssyncset.done $0x0  }
0x229: {  	[sflag:s9] =	ssyncadd.s32 $0xFFFFFE00  }
0x22a: {  	_ =	sfence.sel $0x180000  }
0x22b: {  	[bflag:$0x0] =	sbarrier.arrive $0xFFFF  }
0x22c: {  	_ =	strace $0x90000047  }
0x22d: {  	s0 =	stileid.u32;
	[bflag:$0x2] =	sbarrier.arrive $0xFFFF  }
0x22e: {  	p0 =	sne.s32 s0, $0x0;
	s0 =	rddreg [dreg:$0x5]  }
0x22f: {  	s0 =	sadd.s32 @!p0 $0x100000, s0  }
0x230: {  	[sflag:s0] =	ssyncadd.tile.s32 @!p0 $0x1;
	_ =	shalt  }
.Lfunc_end2:
_tile_overlayer_lowered:
.L_overlay_start_2:
0x231: {  	(tag) =	ssettag $0x2  }
0x232: {  	s0 =	rddreg [dreg:$0x0];
	s2 =	stileid.u32  }
0x233: {  	s1 =	rddreg [dreg:$0x1];
	p0 =	sne.s32 s2, $0x0  }
0x234: {  	s3 =	rddreg [dreg:$0x2];
	[bflag:$0x3] =	sbarrier.arrive $0xFFFF;
	s2 =	simm.s32 @!p0 $0x1C05  }
0x235: {  	[timem:s3], [sflag:s2] =	dma.local @!p0 [hbm:s0], s1  }
0x236: {  	s0 =	simm.s32 @!p0 $0x5  }
0x237: {  	_ =	swait.ge @!p0 [sflag:s0], s1  }
0x238: {  	s1 =	ssub.s32 @!p0 $0x0, s1;
	[sflag:s0] =	ssyncset.done @!p0 $0x0  }
0x239: {  	[sflag:s0] =	ssyncadd.s32 @!p0 s1  }
0x23a: {  	[bflag:$0x3] =	sbarrier.arrive $0xFFFF  }
0x23b: {  	_ =	shalt  }

</sc_bundles>
